<compile_context>
chip_gen: v7x
topology: tpu7x:2x2x1
jax: 0.10.2.dev20260603
libtpu: 0.0.44.dev20260713+nightly
codegen_flags: <defaults>
</compile_context>

<pallas_src>
import functools
import jax
import jax.numpy as jnp
from jax import lax
from jax.experimental import pallas as pl
from jax.experimental.pallas import tpu as pltpu, tpu_sc as plsc

_N_CLASSES = 128
_ROWS = 16384
_COLS = 26
_FLAT_ROWS = _ROWS * _COLS
_CHUNK = 256
_N_CHUNKS = _FLAT_ROWS // _CHUNK
_NW = 32
_BASE_T = _N_CHUNKS // _NW
_EXTRA_W = _N_CHUNKS - _BASE_T * _NW
_T_MAX = _BASE_T + 1


def _sc_body(xt_hbm, zeros_hbm, out_hbm, idxbuf, buf0, buf1, buf2,
             sem0, sem1, sem2):
    wid = lax.axis_index("s") * 2 + lax.axis_index("c")
    n_w = _BASE_T + jnp.where(wid < _EXTRA_W, 1, 0)
    start_w = _BASE_T * wid + jnp.minimum(wid, _EXTRA_W)

    pltpu.sync_copy(zeros_hbm, buf0)
    pltpu.sync_copy(zeros_hbm, buf1)
    pltpu.sync_copy(zeros_hbm, buf2)
    pltpu.sync_copy(
        xt_hbm.at[pl.ds(start_w * _CHUNK, _BASE_T * _CHUNK)],
        idxbuf.at[pl.ds(0, _BASE_T * _CHUNK)])

    @pl.when(wid < _EXTRA_W)
    def _():
        pltpu.sync_copy(
            xt_hbm.at[pl.ds((start_w + _BASE_T) * _CHUNK, _CHUNK)],
            idxbuf.at[pl.ds(_BASE_T * _CHUNK, _CHUNK)])

    lanes = lax.iota(jnp.int32, 16)
    one16 = jnp.ones((16,), jnp.int32)
    zero16 = jnp.zeros((16,), jnp.int32)
    bufs = (buf0, buf1, buf2)
    sems = (sem0, sem1, sem2)

    def do_chunk(t, buf, sem):
        cid = start_w + t

        @pl.when(t >= 3)
        def _():
            pltpu.make_async_copy(
                buf, out_hbm.at[pl.ds(cid * _CHUNK, _CHUNK)], sem).wait()
            for i in range(_CHUNK // 16):
                xv = idxbuf[pl.ds((t - 3) * _CHUNK + i * 16, 16)]
                rows = lanes + (i * 16)
                plsc.store_scatter(buf, [rows, xv], zero16)

        for i in range(_CHUNK // 16):
            xv = idxbuf[pl.ds(t * _CHUNK + i * 16, 16)]
            rows = lanes + (i * 16)
            plsc.store_scatter(buf, [rows, xv], one16)
        pltpu.async_copy(buf, out_hbm.at[pl.ds(cid * _CHUNK, _CHUNK)], sem)

    def pair_body(u, carry):
        for phase in range(3):
            t = u * 3 + phase

            @pl.when(t < n_w)
            def _():
                do_chunk(t, bufs[phase], sems[phase])
        return carry

    lax.fori_loop(0, (_T_MAX + 2) // 3, pair_body, 0)

    for b in range(3):
        pltpu.make_async_copy(
            bufs[b], out_hbm.at[pl.ds(0, _CHUNK)], sems[b]).wait()


def kernel(x):
    xt_flat = jnp.transpose(x, (1, 0)).reshape(_FLAT_ROWS)
    zeros = jnp.zeros((_CHUNK, _N_CLASSES), jnp.int32)
    mesh = plsc.VectorSubcoreMesh(
        core_axis_name="c", subcore_axis_name="s",
        num_cores=2, num_subcores=16)
    run = functools.partial(
        pl.kernel,
        out_type=jax.ShapeDtypeStruct((_FLAT_ROWS, _N_CLASSES), jnp.int32),
        mesh=mesh,
        scratch_types=[
            pltpu.VMEM((_T_MAX * _CHUNK,), jnp.int32),
            pltpu.VMEM((_CHUNK, _N_CLASSES), jnp.int32),
            pltpu.VMEM((_CHUNK, _N_CLASSES), jnp.int32),
            pltpu.VMEM((_CHUNK, _N_CLASSES), jnp.int32),
            pltpu.SemaphoreType.DMA,
            pltpu.SemaphoreType.DMA,
            pltpu.SemaphoreType.DMA,
        ],
        compiler_params=pltpu.CompilerParams(needs_layout_passes=False),
    )(_sc_body)
    out_flat = run(xt_flat, zeros)
    return jnp.transpose(
        out_flat.reshape(_COLS, _ROWS, _N_CLASSES), (1, 0, 2))

# --- scband reference (transcript-rebuilt; emitter-appended) ---
"""Pipeline reference for scband-my-model-61933428411823 (READ-ONLY COPY).

The authoritative reference and input builder live on the scoring server;
editing this copy changes nothing except your own understanding.
"""

import jax, jax.numpy as jnp
import numpy as np

NUM_CLASSES = 128

def setup_inputs(seed: int = 0) -> dict:
    key = jax.random.key(seed)
    x = jax.random.randint(key, (16384, 26), 0, NUM_CLASSES, dtype=jnp.int32)
    return {"x": x}

def reference(x) -> jnp.ndarray:
    # Faithful translation of torch.nn.functional.one_hot(x, num_classes):
    # output has an extra trailing dim of size num_classes, integer dtype,
    # with a 1 at the index given by x and 0 elsewhere.
    out = (x[..., None] == jnp.arange(NUM_CLASSES, dtype=x.dtype)).astype(jnp.int32)
    return out

if __name__ == "__main__":
    import jax
    _d = setup_inputs()
    print(jax.jit(kernel)(*tuple(_d.values())))

</pallas_src>

<mosaic_0001>
#map = affine_map<(d0, d1) -> (0)>
#map1 = affine_map<(d0, d1) -> (0, 0)>
module attributes {stable_mosaic.version = 14 : i64} {
  func.func @_sc_body(%arg0: i32, %arg1: i32, %arg2: memref<425984xi32, #tpu.memory_space<hbm>>, %arg3: memref<256x128xi32, #tpu.memory_space<hbm>>, %arg4: memref<425984x128xi32, #tpu.memory_space<hbm>>, %arg5: memref<13568xi32, #tpu.memory_space<vmem>>, %arg6: memref<256x128xi32, #tpu.memory_space<vmem>>, %arg7: memref<256x128xi32, #tpu.memory_space<vmem>>, %arg8: memref<256x128xi32, #tpu.memory_space<vmem>>, %arg9: memref<!tpu.dma_semaphore, #tpu.memory_space<semaphore_mem>>, %arg10: memref<!tpu.dma_semaphore, #tpu.memory_space<semaphore_mem>>, %arg11: memref<!tpu.dma_semaphore, #tpu.memory_space<semaphore_mem>>) attributes {dimension_semantics = [#tpu.dimension_semantics<core_parallel>, #tpu.dimension_semantics<subcore_parallel>], iteration_bounds = array<i64: 2, 16>, scalar_prefetch = 0 : i64, scratch_operands = 7 : i64, tpu.core_type = #tpu.core_type<sc_vector_subcore>, window_params = [{transform_indices = #map}, {transform_indices = #map1}, {transform_indices = #map1}]} {
    %mul3A = arith.constant 2 : i32
    %mul3A_0 = arith.muli %arg1, %mul3A : i32
    %add3A = arith.addi %mul3A_0, %arg0 : i32
    %lt3A = arith.constant 0 : i32
    %lt3A_1 = arith.cmpi slt, %add3A, %lt3A : i32
    %jit3A = arith.constant 1 : i32
    %jit3A_2 = arith.constant 0 : i32
    %select_n3A = arith.select %lt3A_1, %jit3A, %jit3A_2 : i32
    %add3A_3 = arith.constant 52 : i32
    %add3A_4 = arith.addi %add3A_3, %select_n3A : i32
    %mul3A_5 = arith.constant 52 : i32
    %mul3A_6 = arith.muli %mul3A_5, %add3A : i32
    %min3A = arith.constant 0 : i32
    %min3A_7 = arith.minsi %add3A, %min3A : i32
    %add3A_8 = arith.addi %mul3A_6, %min3A_7 : i32
    "tpu.region"() ({
      %run_scoped3A = tpu.sem_alloc : memref<!tpu.dma_semaphore, #tpu.memory_space<semaphore_mem>>
      tpu.enqueue_dma source(%arg3 : memref<256x128xi32, #tpu.memory_space<hbm>>) target(%arg6 : memref<256x128xi32, #tpu.memory_space<vmem>>) target_semaphore(%run_scoped3A : memref<!tpu.dma_semaphore, #tpu.memory_space<semaphore_mem>>)
      tpu.wait_dma2 semaphore(%run_scoped3A : memref<!tpu.dma_semaphore, #tpu.memory_space<semaphore_mem>>) src(%arg3 : memref<256x128xi32, #tpu.memory_space<hbm>>) dst(%arg6 : memref<256x128xi32, #tpu.memory_space<vmem>>)
      tpu.yield
    }) : () -> ()
    "tpu.region"() ({
      %run_scoped3A = tpu.sem_alloc : memref<!tpu.dma_semaphore, #tpu.memory_space<semaphore_mem>>
      tpu.enqueue_dma source(%arg3 : memref<256x128xi32, #tpu.memory_space<hbm>>) target(%arg7 : memref<256x128xi32, #tpu.memory_space<vmem>>) target_semaphore(%run_scoped3A : memref<!tpu.dma_semaphore, #tpu.memory_space<semaphore_mem>>)
      tpu.wait_dma2 semaphore(%run_scoped3A : memref<!tpu.dma_semaphore, #tpu.memory_space<semaphore_mem>>) src(%arg3 : memref<256x128xi32, #tpu.memory_space<hbm>>) dst(%arg7 : memref<256x128xi32, #tpu.memory_space<vmem>>)
      tpu.yield
    }) : () -> ()
    "tpu.region"() ({
      %run_scoped3A = tpu.sem_alloc : memref<!tpu.dma_semaphore, #tpu.memory_space<semaphore_mem>>
      tpu.enqueue_dma source(%arg3 : memref<256x128xi32, #tpu.memory_space<hbm>>) target(%arg8 : memref<256x128xi32, #tpu.memory_space<vmem>>) target_semaphore(%run_scoped3A : memref<!tpu.dma_semaphore, #tpu.memory_space<semaphore_mem>>)
      tpu.wait_dma2 semaphore(%run_scoped3A : memref<!tpu.dma_semaphore, #tpu.memory_space<semaphore_mem>>) src(%arg3 : memref<256x128xi32, #tpu.memory_space<hbm>>) dst(%arg8 : memref<256x128xi32, #tpu.memory_space<vmem>>)
      tpu.yield
    }) : () -> ()
    %mul3A_9 = arith.constant 256 : i32
    %mul3A_10 = arith.muli %add3A_8, %mul3A_9 : i32
    "tpu.region"() ({
      %run_scoped3A = tpu.sem_alloc : memref<!tpu.dma_semaphore, #tpu.memory_space<semaphore_mem>>
      %dma_start3A = arith.constant 0 : i32
      %dma_start3A_39 = tpu.memref_slice %arg5[%dma_start3A] : memref<13568xi32, #tpu.memory_space<vmem>> -> memref<13312xi32, #tpu.memory_space<vmem>>
      %dma_start3A_40 = tpu.memref_slice %arg2[%mul3A_10] : memref<425984xi32, #tpu.memory_space<hbm>> -> memref<13312xi32, #tpu.memory_space<hbm>>
      %dma_start3A_41 = arith.constant 0 : i32
      %dma_start3A_42 = tpu.memref_slice %arg5[%dma_start3A_41] : memref<13568xi32, #tpu.memory_space<vmem>> -> memref<13312xi32, #tpu.memory_space<vmem>>
      %dma_start3A_43 = tpu.memref_slice %arg2[%mul3A_10] : memref<425984xi32, #tpu.memory_space<hbm>> -> memref<13312xi32, #tpu.memory_space<hbm>>
      tpu.enqueue_dma source(%dma_start3A_43 : memref<13312xi32, #tpu.memory_space<hbm>>) target(%dma_start3A_42 : memref<13312xi32, #tpu.memory_space<vmem>>) target_semaphore(%run_scoped3A : memref<!tpu.dma_semaphore, #tpu.memory_space<semaphore_mem>>)
      %dma_wait3A_44 = arith.constant 0 : i32
      %dma_wait3A_45 = tpu.memref_slice %arg5[%dma_wait3A_44] : memref<13568xi32, #tpu.memory_space<vmem>> -> memref<13312xi32, #tpu.memory_space<vmem>>
      %dma_wait3A_46 = tpu.memref_slice %arg2[%mul3A_10] : memref<425984xi32, #tpu.memory_space<hbm>> -> memref<13312xi32, #tpu.memory_space<hbm>>
      %dma_wait3A_47 = arith.constant 0 : i32
      %dma_wait3A_48 = tpu.memref_slice %arg5[%dma_wait3A_47] : memref<13568xi32, #tpu.memory_space<vmem>> -> memref<13312xi32, #tpu.memory_space<vmem>>
      %dma_wait3A_49 = tpu.memref_slice %arg2[%mul3A_10] : memref<425984xi32, #tpu.memory_space<hbm>> -> memref<13312xi32, #tpu.memory_space<hbm>>
      tpu.wait_dma2 semaphore(%run_scoped3A : memref<!tpu.dma_semaphore, #tpu.memory_space<semaphore_mem>>) src(%dma_wait3A_49 : memref<13312xi32, #tpu.memory_space<hbm>>) dst(%dma_wait3A_48 : memref<13312xi32, #tpu.memory_space<vmem>>)
      tpu.yield
    }) : () -> ()
    %lt3A_11 = arith.constant 0 : i32
    %lt3A_12 = arith.cmpi slt, %add3A, %lt3A_11 : i32
    %convert_element_type3A = arith.extui %lt3A_12 : i1 to i32
    %cond3A = arith.constant 0 : i32
    %cond3A_13 = arith.cmpi ne, %convert_element_type3A, %cond3A : i32
    scf.if %cond3A_13 {
      %add3A_39 = arith.constant 52 : i32
      %add3A_40 = arith.addi %add3A_8, %add3A_39 : i32
      %mul3A_41 = arith.constant 256 : i32
      %mul3A_42 = arith.muli %add3A_40, %mul3A_41 : i32
      "tpu.region"() ({
        %run_scoped3A = tpu.sem_alloc : memref<!tpu.dma_semaphore, #tpu.memory_space<semaphore_mem>>
        %dma_start3A = arith.constant 13312 : i32
        %dma_start3A_43 = tpu.memref_slice %arg5[%dma_start3A] : memref<13568xi32, #tpu.memory_space<vmem>> -> memref<256xi32, #tpu.memory_space<vmem>>
        %dma_start3A_44 = tpu.memref_slice %arg2[%mul3A_42] : memref<425984xi32, #tpu.memory_space<hbm>> -> memref<256xi32, #tpu.memory_space<hbm>>
        %dma_start3A_45 = arith.constant 13312 : i32
        %dma_start3A_46 = tpu.memref_slice %arg5[%dma_start3A_45] : memref<13568xi32, #tpu.memory_space<vmem>> -> memref<256xi32, #tpu.memory_space<vmem>>
        %dma_start3A_47 = tpu.memref_slice %arg2[%mul3A_42] : memref<425984xi32, #tpu.memory_space<hbm>> -> memref<256xi32, #tpu.memory_space<hbm>>
        tpu.enqueue_dma source(%dma_start3A_47 : memref<256xi32, #tpu.memory_space<hbm>>) target(%dma_start3A_46 : memref<256xi32, #tpu.memory_space<vmem>>) target_semaphore(%run_scoped3A : memref<!tpu.dma_semaphore, #tpu.memory_space<semaphore_mem>>)
        %dma_wait3A_48 = arith.constant 13312 : i32
        %dma_wait3A_49 = tpu.memref_slice %arg5[%dma_wait3A_48] : memref<13568xi32, #tpu.memory_space<vmem>> -> memref<256xi32, #tpu.memory_space<vmem>>
        %dma_wait3A_50 = tpu.memref_slice %arg2[%mul3A_42] : memref<425984xi32, #tpu.memory_space<hbm>> -> memref<256xi32, #tpu.memory_space<hbm>>
        %dma_wait3A_51 = arith.constant 13312 : i32
        %dma_wait3A_52 = tpu.memref_slice %arg5[%dma_wait3A_51] : memref<13568xi32, #tpu.memory_space<vmem>> -> memref<256xi32, #tpu.memory_space<vmem>>
        %dma_wait3A_53 = tpu.memref_slice %arg2[%mul3A_42] : memref<425984xi32, #tpu.memory_space<hbm>> -> memref<256xi32, #tpu.memory_space<hbm>>
        tpu.wait_dma2 semaphore(%run_scoped3A : memref<!tpu.dma_semaphore, #tpu.memory_space<semaphore_mem>>) src(%dma_wait3A_53 : memref<256xi32, #tpu.memory_space<hbm>>) dst(%dma_wait3A_52 : memref<256xi32, #tpu.memory_space<vmem>>)
        tpu.yield
      }) : () -> ()
    } else {
    }
    %iota3A = tpu.iota {dimensions = array<i32: 0>} : vector<16xi32>
    %broadcast_in_dim3A = arith.constant 1 : i32
    %broadcast_in_dim3A_14 = vector.broadcast %broadcast_in_dim3A : i32 to vector<16xi32>
    %broadcast_in_dim3A_15 = arith.constant 0 : i32
    %broadcast_in_dim3A_16 = vector.broadcast %broadcast_in_dim3A_15 : i32 to vector<16xi32>
    %scan3A = arith.constant 0 : i32
    %scan3A_17 = arith.constant 0 : i32
    %scan3A_18 = arith.constant 18 : i32
    %scan3A_19 = arith.addi %scan3A_17, %scan3A_18 : i32
    %scan3A_20 = arith.constant 1 : i32
    scf.for %scan3A_39 = %scan3A_17 to %scan3A_19 step %scan3A_20  : i32 {
      %mul3A_40 = arith.constant 3 : i32
      %mul3A_41 = arith.muli %scan3A_39, %mul3A_40 : i32
      %add3A_42 = arith.constant 0 : i32
      %add3A_43 = arith.addi %mul3A_41, %add3A_42 : i32
      %lt3A_44 = arith.cmpi slt, %add3A_43, %add3A_4 : i32
      %convert_element_type3A_45 = arith.extui %lt3A_44 : i1 to i32
      %cond3A_46 = arith.constant 0 : i32
      %cond3A_47 = arith.cmpi ne, %convert_element_type3A_45, %cond3A_46 : i32
      scf.if %cond3A_47 {
        %add3A_64 = arith.addi %add3A_8, %add3A_43 : i32
        %ge3A = arith.constant 3 : i32
        %ge3A_65 = arith.cmpi sge, %add3A_43, %ge3A : i32
        %convert_element_type3A_66 = arith.extui %ge3A_65 : i1 to i32
        %cond3A_67 = arith.constant 0 : i32
        %cond3A_68 = arith.cmpi ne, %convert_element_type3A_66, %cond3A_67 : i32
        scf.if %cond3A_68 {
          %mul3A_217 = arith.constant 256 : i32
          %mul3A_218 = arith.muli %add3A_64, %mul3A_217 : i32
          %dma_wait3A_219 = arith.constant 0 : i32
          %dma_wait3A_220 = tpu.memref_slice %arg4[%mul3A_218, %dma_wait3A_219] : memref<425984x128xi32, #tpu.memory_space<hbm>> -> memref<256x128xi32, #tpu.memory_space<hbm>>
          %dma_wait3A_221 = arith.constant 0 : i32
          %dma_wait3A_222 = tpu.memref_slice %arg4[%mul3A_218, %dma_wait3A_221] : memref<425984x128xi32, #tpu.memory_space<hbm>> -> memref<256x128xi32, #tpu.memory_space<hbm>>
          tpu.wait_dma2 semaphore(%arg9 : memref<!tpu.dma_semaphore, #tpu.memory_space<semaphore_mem>>) src(%arg6 : memref<256x128xi32, #tpu.memory_space<vmem>>) dst(%dma_wait3A_222 : memref<256x128xi32, #tpu.memory_space<hbm>>)
          %sub3A = arith.constant 3 : i32
          %sub3A_223 = arith.subi %add3A_43, %sub3A : i32
          %mul3A_224 = arith.constant 256 : i32
          %mul3A_225 = arith.muli %sub3A_223, %mul3A_224 : i32
          %add3A_226 = arith.constant 0 : i32
          %add3A_227 = arith.addi %mul3A_225, %add3A_226 : i32
          %get3A_228 = arith.index_cast %add3A_227 : i32 to index
          %get3A_229 = tpu.vector_load %arg5[%get3A_228] {strides = array<i32>} : memref<13568xi32, #tpu.memory_space<vmem>>, vector<16xi32>,
          %add3A_230 = arith.constant 0 : i32
          %add3A_231 = vector.broadcast %add3A_230 : i32 to vector<16xi32>
          %add3A_232 = arith.addi %iota3A, %add3A_231 : vector<16xi32>
          tpu.vector_store_idx %arg6[%add3A_232, %get3A_229], %broadcast_in_dim3A_16 : memref<256x128xi32, #tpu.memory_space<vmem>>[vector<16xi32>, vector<16xi32>], vector<16xi32>,
          %sub3A_233 = arith.constant 3 : i32
          %sub3A_234 = arith.subi %add3A_43, %sub3A_233 : i32
          %mul3A_235 = arith.constant 256 : i32
          %mul3A_236 = arith.muli %sub3A_234, %mul3A_235 : i32
          %add3A_237 = arith.constant 16 : i32
          %add3A_238 = arith.addi %mul3A_236, %add3A_237 : i32
          %get3A_239 = arith.index_cast %add3A_238 : i32 to index
          %get3A_240 = tpu.vector_load %arg5[%get3A_239] {strides = array<i32>} : memref<13568xi32, #tpu.memory_space<vmem>>, vector<16xi32>,
          %add3A_241 = arith.constant 16 : i32
          %add3A_242 = vector.broadcast %add3A_241 : i32 to vector<16xi32>
          %add3A_243 = arith.addi %iota3A, %add3A_242 : vector<16xi32>
          tpu.vector_store_idx %arg6[%add3A_243, %get3A_240], %broadcast_in_dim3A_16 : memref<256x128xi32, #tpu.memory_space<vmem>>[vector<16xi32>, vector<16xi32>], vector<16xi32>,
          %sub3A_244 = arith.constant 3 : i32
          %sub3A_245 = arith.subi %add3A_43, %sub3A_244 : i32
          %mul3A_246 = arith.constant 256 : i32
          %mul3A_247 = arith.muli %sub3A_245, %mul3A_246 : i32
          %add3A_248 = arith.constant 32 : i32
          %add3A_249 = arith.addi %mul3A_247, %add3A_248 : i32
          %get3A_250 = arith.index_cast %add3A_249 : i32 to index
          %get3A_251 = tpu.vector_load %arg5[%get3A_250] {strides = array<i32>} : memref<13568xi32, #tpu.memory_space<vmem>>, vector<16xi32>,
          %add3A_252 = arith.constant 32 : i32
          %add3A_253 = vector.broadcast %add3A_252 : i32 to vector<16xi32>
          %add3A_254 = arith.addi %iota3A, %add3A_253 : vector<16xi32>
          tpu.vector_store_idx %arg6[%add3A_254, %get3A_251], %broadcast_in_dim3A_16 : memref<256x128xi32, #tpu.memory_space<vmem>>[vector<16xi32>, vector<16xi32>], vector<16xi32>,
          %sub3A_255 = arith.constant 3 : i32
          %sub3A_256 = arith.subi %add3A_43, %sub3A_255 : i32
          %mul3A_257 = arith.constant 256 : i32
          %mul3A_258 = arith.muli %sub3A_256, %mul3A_257 : i32
          %add3A_259 = arith.constant 48 : i32
          %add3A_260 = arith.addi %mul3A_258, %add3A_259 : i32
          %get3A_261 = arith.index_cast %add3A_260 : i32 to index
          %get3A_262 = tpu.vector_load %arg5[%get3A_261] {strides = array<i32>} : memref<13568xi32, #tpu.memory_space<vmem>>, vector<16xi32>,
          %add3A_263 = arith.constant 48 : i32
          %add3A_264 = vector.broadcast %add3A_263 : i32 to vector<16xi32>
          %add3A_265 = arith.addi %iota3A, %add3A_264 : vector<16xi32>
          tpu.vector_store_idx %arg6[%add3A_265, %get3A_262], %broadcast_in_dim3A_16 : memref<256x128xi32, #tpu.memory_space<vmem>>[vector<16xi32>, vector<16xi32>], vector<16xi32>,
          %sub3A_266 = arith.constant 3 : i32
          %sub3A_267 = arith.subi %add3A_43, %sub3A_266 : i32
          %mul3A_268 = arith.constant 256 : i32
          %mul3A_269 = arith.muli %sub3A_267, %mul3A_268 : i32
          %add3A_270 = arith.constant 64 : i32
          %add3A_271 = arith.addi %mul3A_269, %add3A_270 : i32
          %get3A_272 = arith.index_cast %add3A_271 : i32 to index
          %get3A_273 = tpu.vector_load %arg5[%get3A_272] {strides = array<i32>} : memref<13568xi32, #tpu.memory_space<vmem>>, vector<16xi32>,
          %add3A_274 = arith.constant 64 : i32
          %add3A_275 = vector.broadcast %add3A_274 : i32 to vector<16xi32>
          %add3A_276 = arith.addi %iota3A, %add3A_275 : vector<16xi32>
          tpu.vector_store_idx %arg6[%add3A_276, %get3A_273], %broadcast_in_dim3A_16 : memref<256x128xi32, #tpu.memory_space<vmem>>[vector<16xi32>, vector<16xi32>], vector<16xi32>,
          %sub3A_277 = arith.constant 3 : i32
          %sub3A_278 = arith.subi %add3A_43, %sub3A_277 : i32
          %mul3A_279 = arith.constant 256 : i32
          %mul3A_280 = arith.muli %sub3A_278, %mul3A_279 : i32
          %add3A_281 = arith.constant 80 : i32
          %add3A_282 = arith.addi %mul3A_280, %add3A_281 : i32
          %get3A_283 = arith.index_cast %add3A_282 : i32 to index
          %get3A_284 = tpu.vector_load %arg5[%get3A_283] {strides = array<i32>} : memref<13568xi32, #tpu.memory_space<vmem>>, vector<16xi32>,
          %add3A_285 = arith.constant 80 : i32
          %add3A_286 = vector.broadcast %add3A_285 : i32 to vector<16xi32>
          %add3A_287 = arith.addi %iota3A, %add3A_286 : vector<16xi32>
          tpu.vector_store_idx %arg6[%add3A_287, %get3A_284], %broadcast_in_dim3A_16 : memref<256x128xi32, #tpu.memory_space<vmem>>[vector<16xi32>, vector<16xi32>], vector<16xi32>,
          %sub3A_288 = arith.constant 3 : i32
          %sub3A_289 = arith.subi %add3A_43, %sub3A_288 : i32
          %mul3A_290 = arith.constant 256 : i32
          %mul3A_291 = arith.muli %sub3A_289, %mul3A_290 : i32
          %add3A_292 = arith.constant 96 : i32
          %add3A_293 = arith.addi %mul3A_291, %add3A_292 : i32
          %get3A_294 = arith.index_cast %add3A_293 : i32 to index
          %get3A_295 = tpu.vector_load %arg5[%get3A_294] {strides = array<i32>} : memref<13568xi32, #tpu.memory_space<vmem>>, vector<16xi32>,
          %add3A_296 = arith.constant 96 : i32
          %add3A_297 = vector.broadcast %add3A_296 : i32 to vector<16xi32>
          %add3A_298 = arith.addi %iota3A, %add3A_297 : vector<16xi32>
          tpu.vector_store_idx %arg6[%add3A_298, %get3A_295], %broadcast_in_dim3A_16 : memref<256x128xi32, #tpu.memory_space<vmem>>[vector<16xi32>, vector<16xi32>], vector<16xi32>,
          %sub3A_299 = arith.constant 3 : i32
          %sub3A_300 = arith.subi %add3A_43, %sub3A_299 : i32
          %mul3A_301 = arith.constant 256 : i32
          %mul3A_302 = arith.muli %sub3A_300, %mul3A_301 : i32
          %add3A_303 = arith.constant 112 : i32
          %add3A_304 = arith.addi %mul3A_302, %add3A_303 : i32
          %get3A_305 = arith.index_cast %add3A_304 : i32 to index
          %get3A_306 = tpu.vector_load %arg5[%get3A_305] {strides = array<i32>} : memref<13568xi32, #tpu.memory_space<vmem>>, vector<16xi32>,
          %add3A_307 = arith.constant 112 : i32
          %add3A_308 = vector.broadcast %add3A_307 : i32 to vector<16xi32>
          %add3A_309 = arith.addi %iota3A, %add3A_308 : vector<16xi32>
          tpu.vector_store_idx %arg6[%add3A_309, %get3A_306], %broadcast_in_dim3A_16 : memref<256x128xi32, #tpu.memory_space<vmem>>[vector<16xi32>, vector<16xi32>], vector<16xi32>,
          %sub3A_310 = arith.constant 3 : i32
          %sub3A_311 = arith.subi %add3A_43, %sub3A_310 : i32
          %mul3A_312 = arith.constant 256 : i32
          %mul3A_313 = arith.muli %sub3A_311, %mul3A_312 : i32
          %add3A_314 = arith.constant 128 : i32
          %add3A_315 = arith.addi %mul3A_313, %add3A_314 : i32
          %get3A_316 = arith.index_cast %add3A_315 : i32 to index
          %get3A_317 = tpu.vector_load %arg5[%get3A_316] {strides = array<i32>} : memref<13568xi32, #tpu.memory_space<vmem>>, vector<16xi32>,
          %add3A_318 = arith.constant 128 : i32
          %add3A_319 = vector.broadcast %add3A_318 : i32 to vector<16xi32>
          %add3A_320 = arith.addi %iota3A, %add3A_319 : vector<16xi32>
          tpu.vector_store_idx %arg6[%add3A_320, %get3A_317], %broadcast_in_dim3A_16 : memref<256x128xi32, #tpu.memory_space<vmem>>[vector<16xi32>, vector<16xi32>], vector<16xi32>,
          %sub3A_321 = arith.constant 3 : i32
          %sub3A_322 = arith.subi %add3A_43, %sub3A_321 : i32
          %mul3A_323 = arith.constant 256 : i32
          %mul3A_324 = arith.muli %sub3A_322, %mul3A_323 : i32
          %add3A_325 = arith.constant 144 : i32
          %add3A_326 = arith.addi %mul3A_324, %add3A_325 : i32
          %get3A_327 = arith.index_cast %add3A_326 : i32 to index
          %get3A_328 = tpu.vector_load %arg5[%get3A_327] {strides = array<i32>} : memref<13568xi32, #tpu.memory_space<vmem>>, vector<16xi32>,
          %add3A_329 = arith.constant 144 : i32
          %add3A_330 = vector.broadcast %add3A_329 : i32 to vector<16xi32>
          %add3A_331 = arith.addi %iota3A, %add3A_330 : vector<16xi32>
          tpu.vector_store_idx %arg6[%add3A_331, %get3A_328], %broadcast_in_dim3A_16 : memref<256x128xi32, #tpu.memory_space<vmem>>[vector<16xi32>, vector<16xi32>], vector<16xi32>,
          %sub3A_332 = arith.constant 3 : i32
          %sub3A_333 = arith.subi %add3A_43, %sub3A_332 : i32
          %mul3A_334 = arith.constant 256 : i32
          %mul3A_335 = arith.muli %sub3A_333, %mul3A_334 : i32
          %add3A_336 = arith.constant 160 : i32
          %add3A_337 = arith.addi %mul3A_335, %add3A_336 : i32
          %get3A_338 = arith.index_cast %add3A_337 : i32 to index
          %get3A_339 = tpu.vector_load %arg5[%get3A_338] {strides = array<i32>} : memref<13568xi32, #tpu.memory_space<vmem>>, vector<16xi32>,
          %add3A_340 = arith.constant 160 : i32
          %add3A_341 = vector.broadcast %add3A_340 : i32 to vector<16xi32>
          %add3A_342 = arith.addi %iota3A, %add3A_341 : vector<16xi32>
          tpu.vector_store_idx %arg6[%add3A_342, %get3A_339], %broadcast_in_dim3A_16 : memref<256x128xi32, #tpu.memory_space<vmem>>[vector<16xi32>, vector<16xi32>], vector<16xi32>,
          %sub3A_343 = arith.constant 3 : i32
          %sub3A_344 = arith.subi %add3A_43, %sub3A_343 : i32
          %mul3A_345 = arith.constant 256 : i32
          %mul3A_346 = arith.muli %sub3A_344, %mul3A_345 : i32
          %add3A_347 = arith.constant 176 : i32
          %add3A_348 = arith.addi %mul3A_346, %add3A_347 : i32
          %get3A_349 = arith.index_cast %add3A_348 : i32 to index
          %get3A_350 = tpu.vector_load %arg5[%get3A_349] {strides = array<i32>} : memref<13568xi32, #tpu.memory_space<vmem>>, vector<16xi32>,
          %add3A_351 = arith.constant 176 : i32
          %add3A_352 = vector.broadcast %add3A_351 : i32 to vector<16xi32>
          %add3A_353 = arith.addi %iota3A, %add3A_352 : vector<16xi32>
          tpu.vector_store_idx %arg6[%add3A_353, %get3A_350], %broadcast_in_dim3A_16 : memref<256x128xi32, #tpu.memory_space<vmem>>[vector<16xi32>, vector<16xi32>], vector<16xi32>,
          %sub3A_354 = arith.constant 3 : i32
          %sub3A_355 = arith.subi %add3A_43, %sub3A_354 : i32
          %mul3A_356 = arith.constant 256 : i32
          %mul3A_357 = arith.muli %sub3A_355, %mul3A_356 : i32
          %add3A_358 = arith.constant 192 : i32
          %add3A_359 = arith.addi %mul3A_357, %add3A_358 : i32
          %get3A_360 = arith.index_cast %add3A_359 : i32 to index
          %get3A_361 = tpu.vector_load %arg5[%get3A_360] {strides = array<i32>} : memref<13568xi32, #tpu.memory_space<vmem>>, vector<16xi32>,
          %add3A_362 = arith.constant 192 : i32
          %add3A_363 = vector.broadcast %add3A_362 : i32 to vector<16xi32>
          %add3A_364 = arith.addi %iota3A, %add3A_363 : vector<16xi32>
          tpu.vector_store_idx %arg6[%add3A_364, %get3A_361], %broadcast_in_dim3A_16 : memref<256x128xi32, #tpu.memory_space<vmem>>[vector<16xi32>, vector<16xi32>], vector<16xi32>,
          %sub3A_365 = arith.constant 3 : i32
          %sub3A_366 = arith.subi %add3A_43, %sub3A_365 : i32
          %mul3A_367 = arith.constant 256 : i32
          %mul3A_368 = arith.muli %sub3A_366, %mul3A_367 : i32
          %add3A_369 = arith.constant 208 : i32
          %add3A_370 = arith.addi %mul3A_368, %add3A_369 : i32
          %get3A_371 = arith.index_cast %add3A_370 : i32 to index
          %get3A_372 = tpu.vector_load %arg5[%get3A_371] {strides = array<i32>} : memref<13568xi32, #tpu.memory_space<vmem>>, vector<16xi32>,
          %add3A_373 = arith.constant 208 : i32
          %add3A_374 = vector.broadcast %add3A_373 : i32 to vector<16xi32>
          %add3A_375 = arith.addi %iota3A, %add3A_374 : vector<16xi32>
          tpu.vector_store_idx %arg6[%add3A_375, %get3A_372], %broadcast_in_dim3A_16 : memref<256x128xi32, #tpu.memory_space<vmem>>[vector<16xi32>, vector<16xi32>], vector<16xi32>,
          %sub3A_376 = arith.constant 3 : i32
          %sub3A_377 = arith.subi %add3A_43, %sub3A_376 : i32
          %mul3A_378 = arith.constant 256 : i32
          %mul3A_379 = arith.muli %sub3A_377, %mul3A_378 : i32
          %add3A_380 = arith.constant 224 : i32
          %add3A_381 = arith.addi %mul3A_379, %add3A_380 : i32
          %get3A_382 = arith.index_cast %add3A_381 : i32 to index
          %get3A_383 = tpu.vector_load %arg5[%get3A_382] {strides = array<i32>} : memref<13568xi32, #tpu.memory_space<vmem>>, vector<16xi32>,
          %add3A_384 = arith.constant 224 : i32
          %add3A_385 = vector.broadcast %add3A_384 : i32 to vector<16xi32>
          %add3A_386 = arith.addi %iota3A, %add3A_385 : vector<16xi32>
          tpu.vector_store_idx %arg6[%add3A_386, %get3A_383], %broadcast_in_dim3A_16 : memref<256x128xi32, #tpu.memory_space<vmem>>[vector<16xi32>, vector<16xi32>], vector<16xi32>,
          %sub3A_387 = arith.constant 3 : i32
          %sub3A_388 = arith.subi %add3A_43, %sub3A_387 : i32
          %mul3A_389 = arith.constant 256 : i32
          %mul3A_390 = arith.muli %sub3A_388, %mul3A_389 : i32
          %add3A_391 = arith.constant 240 : i32
          %add3A_392 = arith.addi %mul3A_390, %add3A_391 : i32
          %get3A_393 = arith.index_cast %add3A_392 : i32 to index
          %get3A_394 = tpu.vector_load %arg5[%get3A_393] {strides = array<i32>} : memref<13568xi32, #tpu.memory_space<vmem>>, vector<16xi32>,
          %add3A_395 = arith.constant 240 : i32
          %add3A_396 = vector.broadcast %add3A_395 : i32 to vector<16xi32>
          %add3A_397 = arith.addi %iota3A, %add3A_396 : vector<16xi32>
          tpu.vector_store_idx %arg6[%add3A_397, %get3A_394], %broadcast_in_dim3A_16 : memref<256x128xi32, #tpu.memory_space<vmem>>[vector<16xi32>, vector<16xi32>], vector<16xi32>,
        } else {
        }
        %mul3A_69 = arith.constant 256 : i32
        %mul3A_70 = arith.muli %add3A_43, %mul3A_69 : i32
        %add3A_71 = arith.constant 0 : i32
        %add3A_72 = arith.addi %mul3A_70, %add3A_71 : i32
        %get3A = arith.index_cast %add3A_72 : i32 to index
        %get3A_73 = tpu.vector_load %arg5[%get3A] {strides = array<i32>} : memref<13568xi32, #tpu.memory_space<vmem>>, vector<16xi32>,
        %add3A_74 = arith.constant 0 : i32
        %add3A_75 = vector.broadcast %add3A_74 : i32 to vector<16xi32>
        %add3A_76 = arith.addi %iota3A, %add3A_75 : vector<16xi32>
        tpu.vector_store_idx %arg6[%add3A_76, %get3A_73], %broadcast_in_dim3A_14 : memref<256x128xi32, #tpu.memory_space<vmem>>[vector<16xi32>, vector<16xi32>], vector<16xi32>,
        %mul3A_77 = arith.constant 256 : i32
        %mul3A_78 = arith.muli %add3A_43, %mul3A_77 : i32
        %add3A_79 = arith.constant 16 : i32
        %add3A_80 = arith.addi %mul3A_78, %add3A_79 : i32
        %get3A_81 = arith.index_cast %add3A_80 : i32 to index
        %get3A_82 = tpu.vector_load %arg5[%get3A_81] {strides = array<i32>} : memref<13568xi32, #tpu.memory_space<vmem>>, vector<16xi32>,
        %add3A_83 = arith.constant 16 : i32
        %add3A_84 = vector.broadcast %add3A_83 : i32 to vector<16xi32>
        %add3A_85 = arith.addi %iota3A, %add3A_84 : vector<16xi32>
        tpu.vector_store_idx %arg6[%add3A_85, %get3A_82], %broadcast_in_dim3A_14 : memref<256x128xi32, #tpu.memory_space<vmem>>[vector<16xi32>, vector<16xi32>], vector<16xi32>,
        %mul3A_86 = arith.constant 256 : i32
        %mul3A_87 = arith.muli %add3A_43, %mul3A_86 : i32
        %add3A_88 = arith.constant 32 : i32
        %add3A_89 = arith.addi %mul3A_87, %add3A_88 : i32
        %get3A_90 = arith.index_cast %add3A_89 : i32 to index
        %get3A_91 = tpu.vector_load %arg5[%get3A_90] {strides = array<i32>} : memref<13568xi32, #tpu.memory_space<vmem>>, vector<16xi32>,
        %add3A_92 = arith.constant 32 : i32
        %add3A_93 = vector.broadcast %add3A_92 : i32 to vector<16xi32>
        %add3A_94 = arith.addi %iota3A, %add3A_93 : vector<16xi32>
        tpu.vector_store_idx %arg6[%add3A_94, %get3A_91], %broadcast_in_dim3A_14 : memref<256x128xi32, #tpu.memory_space<vmem>>[vector<16xi32>, vector<16xi32>], vector<16xi32>,
        %mul3A_95 = arith.constant 256 : i32
        %mul3A_96 = arith.muli %add3A_43, %mul3A_95 : i32
        %add3A_97 = arith.constant 48 : i32
        %add3A_98 = arith.addi %mul3A_96, %add3A_97 : i32
        %get3A_99 = arith.index_cast %add3A_98 : i32 to index
        %get3A_100 = tpu.vector_load %arg5[%get3A_99] {strides = array<i32>} : memref<13568xi32, #tpu.memory_space<vmem>>, vector<16xi32>,
        %add3A_101 = arith.constant 48 : i32
        %add3A_102 = vector.broadcast %add3A_101 : i32 to vector<16xi32>
        %add3A_103 = arith.addi %iota3A, %add3A_102 : vector<16xi32>
        tpu.vector_store_idx %arg6[%add3A_103, %get3A_100], %broadcast_in_dim3A_14 : memref<256x128xi32, #tpu.memory_space<vmem>>[vector<16xi32>, vector<16xi32>], vector<16xi32>,
        %mul3A_104 = arith.constant 256 : i32
        %mul3A_105 = arith.muli %add3A_43, %mul3A_104 : i32
        %add3A_106 = arith.constant 64 : i32
        %add3A_107 = arith.addi %mul3A_105, %add3A_106 : i32
        %get3A_108 = arith.index_cast %add3A_107 : i32 to index
        %get3A_109 = tpu.vector_load %arg5[%get3A_108] {strides = array<i32>} : memref<13568xi32, #tpu.memory_space<vmem>>, vector<16xi32>,
        %add3A_110 = arith.constant 64 : i32
        %add3A_111 = vector.broadcast %add3A_110 : i32 to vector<16xi32>
        %add3A_112 = arith.addi %iota3A, %add3A_111 : vector<16xi32>
        tpu.vector_store_idx %arg6[%add3A_112, %get3A_109], %broadcast_in_dim3A_14 : memref<256x128xi32, #tpu.memory_space<vmem>>[vector<16xi32>, vector<16xi32>], vector<16xi32>,
        %mul3A_113 = arith.constant 256 : i32
        %mul3A_114 = arith.muli %add3A_43, %mul3A_113 : i32
        %add3A_115 = arith.constant 80 : i32
        %add3A_116 = arith.addi %mul3A_114, %add3A_115 : i32
        %get3A_117 = arith.index_cast %add3A_116 : i32 to index
        %get3A_118 = tpu.vector_load %arg5[%get3A_117] {strides = array<i32>} : memref<13568xi32, #tpu.memory_space<vmem>>, vector<16xi32>,
        %add3A_119 = arith.constant 80 : i32
        %add3A_120 = vector.broadcast %add3A_119 : i32 to vector<16xi32>
        %add3A_121 = arith.addi %iota3A, %add3A_120 : vector<16xi32>
        tpu.vector_store_idx %arg6[%add3A_121, %get3A_118], %broadcast_in_dim3A_14 : memref<256x128xi32, #tpu.memory_space<vmem>>[vector<16xi32>, vector<16xi32>], vector<16xi32>,
        %mul3A_122 = arith.constant 256 : i32
        %mul3A_123 = arith.muli %add3A_43, %mul3A_122 : i32
        %add3A_124 = arith.constant 96 : i32
        %add3A_125 = arith.addi %mul3A_123, %add3A_124 : i32
        %get3A_126 = arith.index_cast %add3A_125 : i32 to index
        %get3A_127 = tpu.vector_load %arg5[%get3A_126] {strides = array<i32>} : memref<13568xi32, #tpu.memory_space<vmem>>, vector<16xi32>,
        %add3A_128 = arith.constant 96 : i32
        %add3A_129 = vector.broadcast %add3A_128 : i32 to vector<16xi32>
        %add3A_130 = arith.addi %iota3A, %add3A_129 : vector<16xi32>
        tpu.vector_store_idx %arg6[%add3A_130, %get3A_127], %broadcast_in_dim3A_14 : memref<256x128xi32, #tpu.memory_space<vmem>>[vector<16xi32>, vector<16xi32>], vector<16xi32>,
        %mul3A_131 = arith.constant 256 : i32
        %mul3A_132 = arith.muli %add3A_43, %mul3A_131 : i32
        %add3A_133 = arith.constant 112 : i32
        %add3A_134 = arith.addi %mul3A_132, %add3A_133 : i32
        %get3A_135 = arith.index_cast %add3A_134 : i32 to index
        %get3A_136 = tpu.vector_load %arg5[%get3A_135] {strides = array<i32>} : memref<13568xi32, #tpu.memory_space<vmem>>, vector<16xi32>,
        %add3A_137 = arith.constant 112 : i32
        %add3A_138 = vector.broadcast %add3A_137 : i32 to vector<16xi32>
        %add3A_139 = arith.addi %iota3A, %add3A_138 : vector<16xi32>
        tpu.vector_store_idx %arg6[%add3A_139, %get3A_136], %broadcast_in_dim3A_14 : memref<256x128xi32, #tpu.memory_space<vmem>>[vector<16xi32>, vector<16xi32>], vector<16xi32>,
        %mul3A_140 = arith.constant 256 : i32
        %mul3A_141 = arith.muli %add3A_43, %mul3A_140 : i32
        %add3A_142 = arith.constant 128 : i32
        %add3A_143 = arith.addi %mul3A_141, %add3A_142 : i32
        %get3A_144 = arith.index_cast %add3A_143 : i32 to index
        %get3A_145 = tpu.vector_load %arg5[%get3A_144] {strides = array<i32>} : memref<13568xi32, #tpu.memory_space<vmem>>, vector<16xi32>,
        %add3A_146 = arith.constant 128 : i32
        %add3A_147 = vector.broadcast %add3A_146 : i32 to vector<16xi32>
        %add3A_148 = arith.addi %iota3A, %add3A_147 : vector<16xi32>
        tpu.vector_store_idx %arg6[%add3A_148, %get3A_145], %broadcast_in_dim3A_14 : memref<256x128xi32, #tpu.memory_space<vmem>>[vector<16xi32>, vector<16xi32>], vector<16xi32>,
        %mul3A_149 = arith.constant 256 : i32
        %mul3A_150 = arith.muli %add3A_43, %mul3A_149 : i32
        %add3A_151 = arith.constant 144 : i32
        %add3A_152 = arith.addi %mul3A_150, %add3A_151 : i32
        %get3A_153 = arith.index_cast %add3A_152 : i32 to index
        %get3A_154 = tpu.vector_load %arg5[%get3A_153] {strides = array<i32>} : memref<13568xi32, #tpu.memory_space<vmem>>, vector<16xi32>,
        %add3A_155 = arith.constant 144 : i32
        %add3A_156 = vector.broadcast %add3A_155 : i32 to vector<16xi32>
        %add3A_157 = arith.addi %iota3A, %add3A_156 : vector<16xi32>
        tpu.vector_store_idx %arg6[%add3A_157, %get3A_154], %broadcast_in_dim3A_14 : memref<256x128xi32, #tpu.memory_space<vmem>>[vector<16xi32>, vector<16xi32>], vector<16xi32>,
        %mul3A_158 = arith.constant 256 : i32
        %mul3A_159 = arith.muli %add3A_43, %mul3A_158 : i32
        %add3A_160 = arith.constant 160 : i32
        %add3A_161 = arith.addi %mul3A_159, %add3A_160 : i32
        %get3A_162 = arith.index_cast %add3A_161 : i32 to index
        %get3A_163 = tpu.vector_load %arg5[%get3A_162] {strides = array<i32>} : memref<13568xi32, #tpu.memory_space<vmem>>, vector<16xi32>,
        %add3A_164 = arith.constant 160 : i32
        %add3A_165 = vector.broadcast %add3A_164 : i32 to vector<16xi32>
        %add3A_166 = arith.addi %iota3A, %add3A_165 : vector<16xi32>
        tpu.vector_store_idx %arg6[%add3A_166, %get3A_163], %broadcast_in_dim3A_14 : memref<256x128xi32, #tpu.memory_space<vmem>>[vector<16xi32>, vector<16xi32>], vector<16xi32>,
        %mul3A_167 = arith.constant 256 : i32
        %mul3A_168 = arith.muli %add3A_43, %mul3A_167 : i32
        %add3A_169 = arith.constant 176 : i32
        %add3A_170 = arith.addi %mul3A_168, %add3A_169 : i32
        %get3A_171 = arith.index_cast %add3A_170 : i32 to index
        %get3A_172 = tpu.vector_load %arg5[%get3A_171] {strides = array<i32>} : memref<13568xi32, #tpu.memory_space<vmem>>, vector<16xi32>,
        %add3A_173 = arith.constant 176 : i32
        %add3A_174 = vector.broadcast %add3A_173 : i32 to vector<16xi32>
        %add3A_175 = arith.addi %iota3A, %add3A_174 : vector<16xi32>
        tpu.vector_store_idx %arg6[%add3A_175, %get3A_172], %broadcast_in_dim3A_14 : memref<256x128xi32, #tpu.memory_space<vmem>>[vector<16xi32>, vector<16xi32>], vector<16xi32>,
        %mul3A_176 = arith.constant 256 : i32
        %mul3A_177 = arith.muli %add3A_43, %mul3A_176 : i32
        %add3A_178 = arith.constant 192 : i32
        %add3A_179 = arith.addi %mul3A_177, %add3A_178 : i32
        %get3A_180 = arith.index_cast %add3A_179 : i32 to index
        %get3A_181 = tpu.vector_load %arg5[%get3A_180] {strides = array<i32>} : memref<13568xi32, #tpu.memory_space<vmem>>, vector<16xi32>,
        %add3A_182 = arith.constant 192 : i32
        %add3A_183 = vector.broadcast %add3A_182 : i32 to vector<16xi32>
        %add3A_184 = arith.addi %iota3A, %add3A_183 : vector<16xi32>
        tpu.vector_store_idx %arg6[%add3A_184, %get3A_181], %broadcast_in_dim3A_14 : memref<256x128xi32, #tpu.memory_space<vmem>>[vector<16xi32>, vector<16xi32>], vector<16xi32>,
        %mul3A_185 = arith.constant 256 : i32
        %mul3A_186 = arith.muli %add3A_43, %mul3A_185 : i32
        %add3A_187 = arith.constant 208 : i32
        %add3A_188 = arith.addi %mul3A_186, %add3A_187 : i32
        %get3A_189 = arith.index_cast %add3A_188 : i32 to index
        %get3A_190 = tpu.vector_load %arg5[%get3A_189] {strides = array<i32>} : memref<13568xi32, #tpu.memory_space<vmem>>, vector<16xi32>,
        %add3A_191 = arith.constant 208 : i32
        %add3A_192 = vector.broadcast %add3A_191 : i32 to vector<16xi32>
        %add3A_193 = arith.addi %iota3A, %add3A_192 : vector<16xi32>
        tpu.vector_store_idx %arg6[%add3A_193, %get3A_190], %broadcast_in_dim3A_14 : memref<256x128xi32, #tpu.memory_space<vmem>>[vector<16xi32>, vector<16xi32>], vector<16xi32>,
        %mul3A_194 = arith.constant 256 : i32
        %mul3A_195 = arith.muli %add3A_43, %mul3A_194 : i32
        %add3A_196 = arith.constant 224 : i32
        %add3A_197 = arith.addi %mul3A_195, %add3A_196 : i32
        %get3A_198 = arith.index_cast %add3A_197 : i32 to index
        %get3A_199 = tpu.vector_load %arg5[%get3A_198] {strides = array<i32>} : memref<13568xi32, #tpu.memory_space<vmem>>, vector<16xi32>,
        %add3A_200 = arith.constant 224 : i32
        %add3A_201 = vector.broadcast %add3A_200 : i32 to vector<16xi32>
        %add3A_202 = arith.addi %iota3A, %add3A_201 : vector<16xi32>
        tpu.vector_store_idx %arg6[%add3A_202, %get3A_199], %broadcast_in_dim3A_14 : memref<256x128xi32, #tpu.memory_space<vmem>>[vector<16xi32>, vector<16xi32>], vector<16xi32>,
        %mul3A_203 = arith.constant 256 : i32
        %mul3A_204 = arith.muli %add3A_43, %mul3A_203 : i32
        %add3A_205 = arith.constant 240 : i32
        %add3A_206 = arith.addi %mul3A_204, %add3A_205 : i32
        %get3A_207 = arith.index_cast %add3A_206 : i32 to index
        %get3A_208 = tpu.vector_load %arg5[%get3A_207] {strides = array<i32>} : memref<13568xi32, #tpu.memory_space<vmem>>, vector<16xi32>,
        %add3A_209 = arith.constant 240 : i32
        %add3A_210 = vector.broadcast %add3A_209 : i32 to vector<16xi32>
        %add3A_211 = arith.addi %iota3A, %add3A_210 : vector<16xi32>
        tpu.vector_store_idx %arg6[%add3A_211, %get3A_208], %broadcast_in_dim3A_14 : memref<256x128xi32, #tpu.memory_space<vmem>>[vector<16xi32>, vector<16xi32>], vector<16xi32>,
        %mul3A_212 = arith.constant 256 : i32
        %mul3A_213 = arith.muli %add3A_64, %mul3A_212 : i32
        %dma_start3A = arith.constant 0 : i32
        %dma_start3A_214 = tpu.memref_slice %arg4[%mul3A_213, %dma_start3A] : memref<425984x128xi32, #tpu.memory_space<hbm>> -> memref<256x128xi32, #tpu.memory_space<hbm>>
        %dma_start3A_215 = arith.constant 0 : i32
        %dma_start3A_216 = tpu.memref_slice %arg4[%mul3A_213, %dma_start3A_215] : memref<425984x128xi32, #tpu.memory_space<hbm>> -> memref<256x128xi32, #tpu.memory_space<hbm>>
        tpu.enqueue_dma source(%arg6 : memref<256x128xi32, #tpu.memory_space<vmem>>) target(%dma_start3A_216 : memref<256x128xi32, #tpu.memory_space<hbm>>) target_semaphore(%arg9 : memref<!tpu.dma_semaphore, #tpu.memory_space<semaphore_mem>>)
      } else {
      }
      %mul3A_48 = arith.constant 3 : i32
      %mul3A_49 = arith.muli %scan3A_39, %mul3A_48 : i32
      %add3A_50 = arith.constant 1 : i32
      %add3A_51 = arith.addi %mul3A_49, %add3A_50 : i32
      %lt3A_52 = arith.cmpi slt, %add3A_51, %add3A_4 : i32
      %convert_element_type3A_53 = arith.extui %lt3A_52 : i1 to i32
      %cond3A_54 = arith.constant 0 : i32
      %cond3A_55 = arith.cmpi ne, %convert_element_type3A_53, %cond3A_54 : i32
      scf.if %cond3A_55 {
        %add3A_64 = arith.addi %add3A_8, %add3A_51 : i32
        %ge3A = arith.constant 3 : i32
        %ge3A_65 = arith.cmpi sge, %add3A_51, %ge3A : i32
        %convert_element_type3A_66 = arith.extui %ge3A_65 : i1 to i32
        %cond3A_67 = arith.constant 0 : i32
        %cond3A_68 = arith.cmpi ne, %convert_element_type3A_66, %cond3A_67 : i32
        scf.if %cond3A_68 {
          %mul3A_217 = arith.constant 256 : i32
          %mul3A_218 = arith.muli %add3A_64, %mul3A_217 : i32
          %dma_wait3A_219 = arith.constant 0 : i32
          %dma_wait3A_220 = tpu.memref_slice %arg4[%mul3A_218, %dma_wait3A_219] : memref<425984x128xi32, #tpu.memory_space<hbm>> -> memref<256x128xi32, #tpu.memory_space<hbm>>
          %dma_wait3A_221 = arith.constant 0 : i32
          %dma_wait3A_222 = tpu.memref_slice %arg4[%mul3A_218, %dma_wait3A_221] : memref<425984x128xi32, #tpu.memory_space<hbm>> -> memref<256x128xi32, #tpu.memory_space<hbm>>
          tpu.wait_dma2 semaphore(%arg10 : memref<!tpu.dma_semaphore, #tpu.memory_space<semaphore_mem>>) src(%arg7 : memref<256x128xi32, #tpu.memory_space<vmem>>) dst(%dma_wait3A_222 : memref<256x128xi32, #tpu.memory_space<hbm>>)
          %sub3A = arith.constant 3 : i32
          %sub3A_223 = arith.subi %add3A_51, %sub3A : i32
          %mul3A_224 = arith.constant 256 : i32
          %mul3A_225 = arith.muli %sub3A_223, %mul3A_224 : i32
          %add3A_226 = arith.constant 0 : i32
          %add3A_227 = arith.addi %mul3A_225, %add3A_226 : i32
          %get3A_228 = arith.index_cast %add3A_227 : i32 to index
          %get3A_229 = tpu.vector_load %arg5[%get3A_228] {strides = array<i32>} : memref<13568xi32, #tpu.memory_space<vmem>>, vector<16xi32>,
          %add3A_230 = arith.constant 0 : i32
          %add3A_231 = vector.broadcast %add3A_230 : i32 to vector<16xi32>
          %add3A_232 = arith.addi %iota3A, %add3A_231 : vector<16xi32>
          tpu.vector_store_idx %arg7[%add3A_232, %get3A_229], %broadcast_in_dim3A_16 : memref<256x128xi32, #tpu.memory_space<vmem>>[vector<16xi32>, vector<16xi32>], vector<16xi32>,
          %sub3A_233 = arith.constant 3 : i32
          %sub3A_234 = arith.subi %add3A_51, %sub3A_233 : i32
          %mul3A_235 = arith.constant 256 : i32
          %mul3A_236 = arith.muli %sub3A_234, %mul3A_235 : i32
          %add3A_237 = arith.constant 16 : i32
          %add3A_238 = arith.addi %mul3A_236, %add3A_237 : i32
          %get3A_239 = arith.index_cast %add3A_238 : i32 to index
          %get3A_240 = tpu.vector_load %arg5[%get3A_239] {strides = array<i32>} : memref<13568xi32, #tpu.memory_space<vmem>>, vector<16xi32>,
          %add3A_241 = arith.constant 16 : i32
          %add3A_242 = vector.broadcast %add3A_241 : i32 to vector<16xi32>
          %add3A_243 = arith.addi %iota3A, %add3A_242 : vector<16xi32>
          tpu.vector_store_idx %arg7[%add3A_243, %get3A_240], %broadcast_in_dim3A_16 : memref<256x128xi32, #tpu.memory_space<vmem>>[vector<16xi32>, vector<16xi32>], vector<16xi32>,
          %sub3A_244 = arith.constant 3 : i32
          %sub3A_245 = arith.subi %add3A_51, %sub3A_244 : i32
          %mul3A_246 = arith.constant 256 : i32
          %mul3A_247 = arith.muli %sub3A_245, %mul3A_246 : i32
          %add3A_248 = arith.constant 32 : i32
          %add3A_249 = arith.addi %mul3A_247, %add3A_248 : i32
          %get3A_250 = arith.index_cast %add3A_249 : i32 to index
          %get3A_251 = tpu.vector_load %arg5[%get3A_250] {strides = array<i32>} : memref<13568xi32, #tpu.memory_space<vmem>>, vector<16xi32>,
          %add3A_252 = arith.constant 32 : i32
          %add3A_253 = vector.broadcast %add3A_252 : i32 to vector<16xi32>
          %add3A_254 = arith.addi %iota3A, %add3A_253 : vector<16xi32>
          tpu.vector_store_idx %arg7[%add3A_254, %get3A_251], %broadcast_in_dim3A_16 : memref<256x128xi32, #tpu.memory_space<vmem>>[vector<16xi32>, vector<16xi32>], vector<16xi32>,
          %sub3A_255 = arith.constant 3 : i32
          %sub3A_256 = arith.subi %add3A_51, %sub3A_255 : i32
          %mul3A_257 = arith.constant 256 : i32
          %mul3A_258 = arith.muli %sub3A_256, %mul3A_257 : i32
          %add3A_259 = arith.constant 48 : i32
          %add3A_260 = arith.addi %mul3A_258, %add3A_259 : i32
          %get3A_261 = arith.index_cast %add3A_260 : i32 to index
          %get3A_262 = tpu.vector_load %arg5[%get3A_261] {strides = array<i32>} : memref<13568xi32, #tpu.memory_space<vmem>>, vector<16xi32>,
          %add3A_263 = arith.constant 48 : i32
          %add3A_264 = vector.broadcast %add3A_263 : i32 to vector<16xi32>
          %add3A_265 = arith.addi %iota3A, %add3A_264 : vector<16xi32>
          tpu.vector_store_idx %arg7[%add3A_265, %get3A_262], %broadcast_in_dim3A_16 : memref<256x128xi32, #tpu.memory_space<vmem>>[vector<16xi32>, vector<16xi32>], vector<16xi32>,
          %sub3A_266 = arith.constant 3 : i32
          %sub3A_267 = arith.subi %add3A_51, %sub3A_266 : i32
          %mul3A_268 = arith.constant 256 : i32
          %mul3A_269 = arith.muli %sub3A_267, %mul3A_268 : i32
          %add3A_270 = arith.constant 64 : i32
          %add3A_271 = arith.addi %mul3A_269, %add3A_270 : i32
          %get3A_272 = arith.index_cast %add3A_271 : i32 to index
          %get3A_273 = tpu.vector_load %arg5[%get3A_272] {strides = array<i32>} : memref<13568xi32, #tpu.memory_space<vmem>>, vector<16xi32>,
          %add3A_274 = arith.constant 64 : i32
          %add3A_275 = vector.broadcast %add3A_274 : i32 to vector<16xi32>
          %add3A_276 = arith.addi %iota3A, %add3A_275 : vector<16xi32>
          tpu.vector_store_idx %arg7[%add3A_276, %get3A_273], %broadcast_in_dim3A_16 : memref<256x128xi32, #tpu.memory_space<vmem>>[vector<16xi32>, vector<16xi32>], vector<16xi32>,
          %sub3A_277 = arith.constant 3 : i32
          %sub3A_278 = arith.subi %add3A_51, %sub3A_277 : i32
          %mul3A_279 = arith.constant 256 : i32
          %mul3A_280 = arith.muli %sub3A_278, %mul3A_279 : i32
          %add3A_281 = arith.constant 80 : i32
          %add3A_282 = arith.addi %mul3A_280, %add3A_281 : i32
          %get3A_283 = arith.index_cast %add3A_282 : i32 to index
          %get3A_284 = tpu.vector_load %arg5[%get3A_283] {strides = array<i32>} : memref<13568xi32, #tpu.memory_space<vmem>>, vector<16xi32>,
          %add3A_285 = arith.constant 80 : i32
          %add3A_286 = vector.broadcast %add3A_285 : i32 to vector<16xi32>
          %add3A_287 = arith.addi %iota3A, %add3A_286 : vector<16xi32>
          tpu.vector_store_idx %arg7[%add3A_287, %get3A_284], %broadcast_in_dim3A_16 : memref<256x128xi32, #tpu.memory_space<vmem>>[vector<16xi32>, vector<16xi32>], vector<16xi32>,
          %sub3A_288 = arith.constant 3 : i32
          %sub3A_289 = arith.subi %add3A_51, %sub3A_288 : i32
          %mul3A_290 = arith.constant 256 : i32
          %mul3A_291 = arith.muli %sub3A_289, %mul3A_290 : i32
          %add3A_292 = arith.constant 96 : i32
          %add3A_293 = arith.addi %mul3A_291, %add3A_292 : i32
          %get3A_294 = arith.index_cast %add3A_293 : i32 to index
          %get3A_295 = tpu.vector_load %arg5[%get3A_294] {strides = array<i32>} : memref<13568xi32, #tpu.memory_space<vmem>>, vector<16xi32>,
          %add3A_296 = arith.constant 96 : i32
          %add3A_297 = vector.broadcast %add3A_296 : i32 to vector<16xi32>
          %add3A_298 = arith.addi %iota3A, %add3A_297 : vector<16xi32>
          tpu.vector_store_idx %arg7[%add3A_298, %get3A_295], %broadcast_in_dim3A_16 : memref<256x128xi32, #tpu.memory_space<vmem>>[vector<16xi32>, vector<16xi32>], vector<16xi32>,
          %sub3A_299 = arith.constant 3 : i32
          %sub3A_300 = arith.subi %add3A_51, %sub3A_299 : i32
          %mul3A_301 = arith.constant 256 : i32
          %mul3A_302 = arith.muli %sub3A_300, %mul3A_301 : i32
          %add3A_303 = arith.constant 112 : i32
          %add3A_304 = arith.addi %mul3A_302, %add3A_303 : i32
          %get3A_305 = arith.index_cast %add3A_304 : i32 to index
          %get3A_306 = tpu.vector_load %arg5[%get3A_305] {strides = array<i32>} : memref<13568xi32, #tpu.memory_space<vmem>>, vector<16xi32>,
          %add3A_307 = arith.constant 112 : i32
          %add3A_308 = vector.broadcast %add3A_307 : i32 to vector<16xi32>
          %add3A_309 = arith.addi %iota3A, %add3A_308 : vector<16xi32>
          tpu.vector_store_idx %arg7[%add3A_309, %get3A_306], %broadcast_in_dim3A_16 : memref<256x128xi32, #tpu.memory_space<vmem>>[vector<16xi32>, vector<16xi32>], vector<16xi32>,
          %sub3A_310 = arith.constant 3 : i32
          %sub3A_311 = arith.subi %add3A_51, %sub3A_310 : i32
          %mul3A_312 = arith.constant 256 : i32
          %mul3A_313 = arith.muli %sub3A_311, %mul3A_312 : i32
          %add3A_314 = arith.constant 128 : i32
          %add3A_315 = arith.addi %mul3A_313, %add3A_314 : i32
          %get3A_316 = arith.index_cast %add3A_315 : i32 to index
          %get3A_317 = tpu.vector_load %arg5[%get3A_316] {strides = array<i32>} : memref<13568xi32, #tpu.memory_space<vmem>>, vector<16xi32>,
          %add3A_318 = arith.constant 128 : i32
          %add3A_319 = vector.broadcast %add3A_318 : i32 to vector<16xi32>
          %add3A_320 = arith.addi %iota3A, %add3A_319 : vector<16xi32>
          tpu.vector_store_idx %arg7[%add3A_320, %get3A_317], %broadcast_in_dim3A_16 : memref<256x128xi32, #tpu.memory_space<vmem>>[vector<16xi32>, vector<16xi32>], vector<16xi32>,
          %sub3A_321 = arith.constant 3 : i32
          %sub3A_322 = arith.subi %add3A_51, %sub3A_321 : i32
          %mul3A_323 = arith.constant 256 : i32
          %mul3A_324 = arith.muli %sub3A_322, %mul3A_323 : i32
          %add3A_325 = arith.constant 144 : i32
          %add3A_326 = arith.addi %mul3A_324, %add3A_325 : i32
          %get3A_327 = arith.index_cast %add3A_326 : i32 to index
          %get3A_328 = tpu.vector_load %arg5[%get3A_327] {strides = array<i32>} : memref<13568xi32, #tpu.memory_space<vmem>>, vector<16xi32>,
          %add3A_329 = arith.constant 144 : i32
          %add3A_330 = vector.broadcast %add3A_329 : i32 to vector<16xi32>
          %add3A_331 = arith.addi %iota3A, %add3A_330 : vector<16xi32>
          tpu.vector_store_idx %arg7[%add3A_331, %get3A_328], %broadcast_in_dim3A_16 : memref<256x128xi32, #tpu.memory_space<vmem>>[vector<16xi32>, vector<16xi32>], vector<16xi32>,
          %sub3A_332 = arith.constant 3 : i32
          %sub3A_333 = arith.subi %add3A_51, %sub3A_332 : i32
          %mul3A_334 = arith.constant 256 : i32
          %mul3A_335 = arith.muli %sub3A_333, %mul3A_334 : i32
          %add3A_336 = arith.constant 160 : i32
          %add3A_337 = arith.addi %mul3A_335, %add3A_336 : i32
          %get3A_338 = arith.index_cast %add3A_337 : i32 to index
          %get3A_339 = tpu.vector_load %arg5[%get3A_338] {strides = array<i32>} : memref<13568xi32, #tpu.memory_space<vmem>>, vector<16xi32>,
          %add3A_340 = arith.constant 160 : i32
          %add3A_341 = vector.broadcast %add3A_340 : i32 to vector<16xi32>
          %add3A_342 = arith.addi %iota3A, %add3A_341 : vector<16xi32>
          tpu.vector_store_idx %arg7[%add3A_342, %get3A_339], %broadcast_in_dim3A_16 : memref<256x128xi32, #tpu.memory_space<vmem>>[vector<16xi32>, vector<16xi32>], vector<16xi32>,
          %sub3A_343 = arith.constant 3 : i32
          %sub3A_344 = arith.subi %add3A_51, %sub3A_343 : i32
          %mul3A_345 = arith.constant 256 : i32
          %mul3A_346 = arith.muli %sub3A_344, %mul3A_345 : i32
          %add3A_347 = arith.constant 176 : i32
          %add3A_348 = arith.addi %mul3A_346, %add3A_347 : i32
          %get3A_349 = arith.index_cast %add3A_348 : i32 to index
          %get3A_350 = tpu.vector_load %arg5[%get3A_349] {strides = array<i32>} : memref<13568xi32, #tpu.memory_space<vmem>>, vector<16xi32>,
          %add3A_351 = arith.constant 176 : i32
          %add3A_352 = vector.broadcast %add3A_351 : i32 to vector<16xi32>
          %add3A_353 = arith.addi %iota3A, %add3A_352 : vector<16xi32>
          tpu.vector_store_idx %arg7[%add3A_353, %get3A_350], %broadcast_in_dim3A_16 : memref<256x128xi32, #tpu.memory_space<vmem>>[vector<16xi32>, vector<16xi32>], vector<16xi32>,
          %sub3A_354 = arith.constant 3 : i32
          %sub3A_355 = arith.subi %add3A_51, %sub3A_354 : i32
          %mul3A_356 = arith.constant 256 : i32
          %mul3A_357 = arith.muli %sub3A_355, %mul3A_356 : i32
          %add3A_358 = arith.constant 192 : i32
          %add3A_359 = arith.addi %mul3A_357, %add3A_358 : i32
          %get3A_360 = arith.index_cast %add3A_359 : i32 to index
          %get3A_361 = tpu.vector_load %arg5[%get3A_360] {strides = array<i32>} : memref<13568xi32, #tpu.memory_space<vmem>>, vector<16xi32>,
          %add3A_362 = arith.constant 192 : i32
          %add3A_363 = vector.broadcast %add3A_362 : i32 to vector<16xi32>
          %add3A_364 = arith.addi %iota3A, %add3A_363 : vector<16xi32>
          tpu.vector_store_idx %arg7[%add3A_364, %get3A_361], %broadcast_in_dim3A_16 : memref<256x128xi32, #tpu.memory_space<vmem>>[vector<16xi32>, vector<16xi32>], vector<16xi32>,
          %sub3A_365 = arith.constant 3 : i32
          %sub3A_366 = arith.subi %add3A_51, %sub3A_365 : i32
          %mul3A_367 = arith.constant 256 : i32
          %mul3A_368 = arith.muli %sub3A_366, %mul3A_367 : i32
          %add3A_369 = arith.constant 208 : i32
          %add3A_370 = arith.addi %mul3A_368, %add3A_369 : i32
          %get3A_371 = arith.index_cast %add3A_370 : i32 to index
          %get3A_372 = tpu.vector_load %arg5[%get3A_371] {strides = array<i32>} : memref<13568xi32, #tpu.memory_space<vmem>>, vector<16xi32>,
          %add3A_373 = arith.constant 208 : i32
          %add3A_374 = vector.broadcast %add3A_373 : i32 to vector<16xi32>
          %add3A_375 = arith.addi %iota3A, %add3A_374 : vector<16xi32>
          tpu.vector_store_idx %arg7[%add3A_375, %get3A_372], %broadcast_in_dim3A_16 : memref<256x128xi32, #tpu.memory_space<vmem>>[vector<16xi32>, vector<16xi32>], vector<16xi32>,
          %sub3A_376 = arith.constant 3 : i32
          %sub3A_377 = arith.subi %add3A_51, %sub3A_376 : i32
          %mul3A_378 = arith.constant 256 : i32
          %mul3A_379 = arith.muli %sub3A_377, %mul3A_378 : i32
          %add3A_380 = arith.constant 224 : i32
          %add3A_381 = arith.addi %mul3A_379, %add3A_380 : i32
          %get3A_382 = arith.index_cast %add3A_381 : i32 to index
          %get3A_383 = tpu.vector_load %arg5[%get3A_382] {strides = array<i32>} : memref<13568xi32, #tpu.memory_space<vmem>>, vector<16xi32>,
          %add3A_384 = arith.constant 224 : i32
          %add3A_385 = vector.broadcast %add3A_384 : i32 to vector<16xi32>
          %add3A_386 = arith.addi %iota3A, %add3A_385 : vector<16xi32>
          tpu.vector_store_idx %arg7[%add3A_386, %get3A_383], %broadcast_in_dim3A_16 : memref<256x128xi32, #tpu.memory_space<vmem>>[vector<16xi32>, vector<16xi32>], vector<16xi32>,
          %sub3A_387 = arith.constant 3 : i32
          %sub3A_388 = arith.subi %add3A_51, %sub3A_387 : i32
          %mul3A_389 = arith.constant 256 : i32
          %mul3A_390 = arith.muli %sub3A_388, %mul3A_389 : i32
          %add3A_391 = arith.constant 240 : i32
          %add3A_392 = arith.addi %mul3A_390, %add3A_391 : i32
          %get3A_393 = arith.index_cast %add3A_392 : i32 to index
          %get3A_394 = tpu.vector_load %arg5[%get3A_393] {strides = array<i32>} : memref<13568xi32, #tpu.memory_space<vmem>>, vector<16xi32>,
          %add3A_395 = arith.constant 240 : i32
          %add3A_396 = vector.broadcast %add3A_395 : i32 to vector<16xi32>
          %add3A_397 = arith.addi %iota3A, %add3A_396 : vector<16xi32>
          tpu.vector_store_idx %arg7[%add3A_397, %get3A_394], %broadcast_in_dim3A_16 : memref<256x128xi32, #tpu.memory_space<vmem>>[vector<16xi32>, vector<16xi32>], vector<16xi32>,
        } else {
        }
        %mul3A_69 = arith.constant 256 : i32
        %mul3A_70 = arith.muli %add3A_51, %mul3A_69 : i32
        %add3A_71 = arith.constant 0 : i32
        %add3A_72 = arith.addi %mul3A_70, %add3A_71 : i32
        %get3A = arith.index_cast %add3A_72 : i32 to index
        %get3A_73 = tpu.vector_load %arg5[%get3A] {strides = array<i32>} : memref<13568xi32, #tpu.memory_space<vmem>>, vector<16xi32>,
        %add3A_74 = arith.constant 0 : i32
        %add3A_75 = vector.broadcast %add3A_74 : i32 to vector<16xi32>
        %add3A_76 = arith.addi %iota3A, %add3A_75 : vector<16xi32>
        tpu.vector_store_idx %arg7[%add3A_76, %get3A_73], %broadcast_in_dim3A_14 : memref<256x128xi32, #tpu.memory_space<vmem>>[vector<16xi32>, vector<16xi32>], vector<16xi32>,
        %mul3A_77 = arith.constant 256 : i32
        %mul3A_78 = arith.muli %add3A_51, %mul3A_77 : i32
        %add3A_79 = arith.constant 16 : i32
        %add3A_80 = arith.addi %mul3A_78, %add3A_79 : i32
        %get3A_81 = arith.index_cast %add3A_80 : i32 to index
        %get3A_82 = tpu.vector_load %arg5[%get3A_81] {strides = array<i32>} : memref<13568xi32, #tpu.memory_space<vmem>>, vector<16xi32>,
        %add3A_83 = arith.constant 16 : i32
        %add3A_84 = vector.broadcast %add3A_83 : i32 to vector<16xi32>
        %add3A_85 = arith.addi %iota3A, %add3A_84 : vector<16xi32>
        tpu.vector_store_idx %arg7[%add3A_85, %get3A_82], %broadcast_in_dim3A_14 : memref<256x128xi32, #tpu.memory_space<vmem>>[vector<16xi32>, vector<16xi32>], vector<16xi32>,
        %mul3A_86 = arith.constant 256 : i32
        %mul3A_87 = arith.muli %add3A_51, %mul3A_86 : i32
        %add3A_88 = arith.constant 32 : i32
        %add3A_89 = arith.addi %mul3A_87, %add3A_88 : i32
        %get3A_90 = arith.index_cast %add3A_89 : i32 to index
        %get3A_91 = tpu.vector_load %arg5[%get3A_90] {strides = array<i32>} : memref<13568xi32, #tpu.memory_space<vmem>>, vector<16xi32>,
        %add3A_92 = arith.constant 32 : i32
        %add3A_93 = vector.broadcast %add3A_92 : i32 to vector<16xi32>
        %add3A_94 = arith.addi %iota3A, %add3A_93 : vector<16xi32>
        tpu.vector_store_idx %arg7[%add3A_94, %get3A_91], %broadcast_in_dim3A_14 : memref<256x128xi32, #tpu.memory_space<vmem>>[vector<16xi32>, vector<16xi32>], vector<16xi32>,
        %mul3A_95 = arith.constant 256 : i32
        %mul3A_96 = arith.muli %add3A_51, %mul3A_95 : i32
        %add3A_97 = arith.constant 48 : i32
        %add3A_98 = arith.addi %mul3A_96, %add3A_97 : i32
        %get3A_99 = arith.index_cast %add3A_98 : i32 to index
        %get3A_100 = tpu.vector_load %arg5[%get3A_99] {strides = array<i32>} : memref<13568xi32, #tpu.memory_space<vmem>>, vector<16xi32>,
        %add3A_101 = arith.constant 48 : i32
        %add3A_102 = vector.broadcast %add3A_101 : i32 to vector<16xi32>
        %add3A_103 = arith.addi %iota3A, %add3A_102 : vector<16xi32>
        tpu.vector_store_idx %arg7[%add3A_103, %get3A_100], %broadcast_in_dim3A_14 : memref<256x128xi32, #tpu.memory_space<vmem>>[vector<16xi32>, vector<16xi32>], vector<16xi32>,
        %mul3A_104 = arith.constant 256 : i32
        %mul3A_105 = arith.muli %add3A_51, %mul3A_104 : i32
        %add3A_106 = arith.constant 64 : i32
        %add3A_107 = arith.addi %mul3A_105, %add3A_106 : i32
        %get3A_108 = arith.index_cast %add3A_107 : i32 to index
        %get3A_109 = tpu.vector_load %arg5[%get3A_108] {strides = array<i32>} : memref<13568xi32, #tpu.memory_space<vmem>>, vector<16xi32>,
        %add3A_110 = arith.constant 64 : i32
        %add3A_111 = vector.broadcast %add3A_110 : i32 to vector<16xi32>
        %add3A_112 = arith.addi %iota3A, %add3A_111 : vector<16xi32>
        tpu.vector_store_idx %arg7[%add3A_112, %get3A_109], %broadcast_in_dim3A_14 : memref<256x128xi32, #tpu.memory_space<vmem>>[vector<16xi32>, vector<16xi32>], vector<16xi32>,
        %mul3A_113 = arith.constant 256 : i32
        %mul3A_114 = arith.muli %add3A_51, %mul3A_113 : i32
        %add3A_115 = arith.constant 80 : i32
        %add3A_116 = arith.addi %mul3A_114, %add3A_115 : i32
        %get3A_117 = arith.index_cast %add3A_116 : i32 to index
        %get3A_118 = tpu.vector_load %arg5[%get3A_117] {strides = array<i32>} : memref<13568xi32, #tpu.memory_space<vmem>>, vector<16xi32>,
        %add3A_119 = arith.constant 80 : i32
        %add3A_120 = vector.broadcast %add3A_119 : i32 to vector<16xi32>
        %add3A_121 = arith.addi %iota3A, %add3A_120 : vector<16xi32>
        tpu.vector_store_idx %arg7[%add3A_121, %get3A_118], %broadcast_in_dim3A_14 : memref<256x128xi32, #tpu.memory_space<vmem>>[vector<16xi32>, vector<16xi32>], vector<16xi32>,
        %mul3A_122 = arith.constant 256 : i32
        %mul3A_123 = arith.muli %add3A_51, %mul3A_122 : i32
        %add3A_124 = arith.constant 96 : i32
        %add3A_125 = arith.addi %mul3A_123, %add3A_124 : i32
        %get3A_126 = arith.index_cast %add3A_125 : i32 to index
        %get3A_127 = tpu.vector_load %arg5[%get3A_126] {strides = array<i32>} : memref<13568xi32, #tpu.memory_space<vmem>>, vector<16xi32>,
        %add3A_128 = arith.constant 96 : i32
        %add3A_129 = vector.broadcast %add3A_128 : i32 to vector<16xi32>
        %add3A_130 = arith.addi %iota3A, %add3A_129 : vector<16xi32>
        tpu.vector_store_idx %arg7[%add3A_130, %get3A_127], %broadcast_in_dim3A_14 : memref<256x128xi32, #tpu.memory_space<vmem>>[vector<16xi32>, vector<16xi32>], vector<16xi32>,
        %mul3A_131 = arith.constant 256 : i32
        %mul3A_132 = arith.muli %add3A_51, %mul3A_131 : i32
        %add3A_133 = arith.constant 112 : i32
        %add3A_134 = arith.addi %mul3A_132, %add3A_133 : i32
        %get3A_135 = arith.index_cast %add3A_134 : i32 to index
        %get3A_136 = tpu.vector_load %arg5[%get3A_135] {strides = array<i32>} : memref<13568xi32, #tpu.memory_space<vmem>>, vector<16xi32>,
        %add3A_137 = arith.constant 112 : i32
        %add3A_138 = vector.broadcast %add3A_137 : i32 to vector<16xi32>
        %add3A_139 = arith.addi %iota3A, %add3A_138 : vector<16xi32>
        tpu.vector_store_idx %arg7[%add3A_139, %get3A_136], %broadcast_in_dim3A_14 : memref<256x128xi32, #tpu.memory_space<vmem>>[vector<16xi32>, vector<16xi32>], vector<16xi32>,
        %mul3A_140 = arith.constant 256 : i32
        %mul3A_141 = arith.muli %add3A_51, %mul3A_140 : i32
        %add3A_142 = arith.constant 128 : i32
        %add3A_143 = arith.addi %mul3A_141, %add3A_142 : i32
        %get3A_144 = arith.index_cast %add3A_143 : i32 to index
        %get3A_145 = tpu.vector_load %arg5[%get3A_144] {strides = array<i32>} : memref<13568xi32, #tpu.memory_space<vmem>>, vector<16xi32>,
        %add3A_146 = arith.constant 128 : i32
        %add3A_147 = vector.broadcast %add3A_146 : i32 to vector<16xi32>
        %add3A_148 = arith.addi %iota3A, %add3A_147 : vector<16xi32>
        tpu.vector_store_idx %arg7[%add3A_148, %get3A_145], %broadcast_in_dim3A_14 : memref<256x128xi32, #tpu.memory_space<vmem>>[vector<16xi32>, vector<16xi32>], vector<16xi32>,
        %mul3A_149 = arith.constant 256 : i32
        %mul3A_150 = arith.muli %add3A_51, %mul3A_149 : i32
        %add3A_151 = arith.constant 144 : i32
        %add3A_152 = arith.addi %mul3A_150, %add3A_151 : i32
        %get3A_153 = arith.index_cast %add3A_152 : i32 to index
        %get3A_154 = tpu.vector_load %arg5[%get3A_153] {strides = array<i32>} : memref<13568xi32, #tpu.memory_space<vmem>>, vector<16xi32>,
        %add3A_155 = arith.constant 144 : i32
        %add3A_156 = vector.broadcast %add3A_155 : i32 to vector<16xi32>
        %add3A_157 = arith.addi %iota3A, %add3A_156 : vector<16xi32>
        tpu.vector_store_idx %arg7[%add3A_157, %get3A_154], %broadcast_in_dim3A_14 : memref<256x128xi32, #tpu.memory_space<vmem>>[vector<16xi32>, vector<16xi32>], vector<16xi32>,
        %mul3A_158 = arith.constant 256 : i32
        %mul3A_159 = arith.muli %add3A_51, %mul3A_158 : i32
        %add3A_160 = arith.constant 160 : i32
        %add3A_161 = arith.addi %mul3A_159, %add3A_160 : i32
        %get3A_162 = arith.index_cast %add3A_161 : i32 to index
        %get3A_163 = tpu.vector_load %arg5[%get3A_162] {strides = array<i32>} : memref<13568xi32, #tpu.memory_space<vmem>>, vector<16xi32>,
        %add3A_164 = arith.constant 160 : i32
        %add3A_165 = vector.broadcast %add3A_164 : i32 to vector<16xi32>
        %add3A_166 = arith.addi %iota3A, %add3A_165 : vector<16xi32>
        tpu.vector_store_idx %arg7[%add3A_166, %get3A_163], %broadcast_in_dim3A_14 : memref<256x128xi32, #tpu.memory_space<vmem>>[vector<16xi32>, vector<16xi32>], vector<16xi32>,
        %mul3A_167 = arith.constant 256 : i32
        %mul3A_168 = arith.muli %add3A_51, %mul3A_167 : i32
        %add3A_169 = arith.constant 176 : i32
        %add3A_170 = arith.addi %mul3A_168, %add3A_169 : i32
        %get3A_171 = arith.index_cast %add3A_170 : i32 to index
        %get3A_172 = tpu.vector_load %arg5[%get3A_171] {strides = array<i32>} : memref<13568xi32, #tpu.memory_space<vmem>>, vector<16xi32>,
        %add3A_173 = arith.constant 176 : i32
        %add3A_174 = vector.broadcast %add3A_173 : i32 to vector<16xi32>
        %add3A_175 = arith.addi %iota3A, %add3A_174 : vector<16xi32>
        tpu.vector_store_idx %arg7[%add3A_175, %get3A_172], %broadcast_in_dim3A_14 : memref<256x128xi32, #tpu.memory_space<vmem>>[vector<16xi32>, vector<16xi32>], vector<16xi32>,
        %mul3A_176 = arith.constant 256 : i32
        %mul3A_177 = arith.muli %add3A_51, %mul3A_176 : i32
        %add3A_178 = arith.constant 192 : i32
        %add3A_179 = arith.addi %mul3A_177, %add3A_178 : i32
        %get3A_180 = arith.index_cast %add3A_179 : i32 to index
        %get3A_181 = tpu.vector_load %arg5[%get3A_180] {strides = array<i32>} : memref<13568xi32, #tpu.memory_space<vmem>>, vector<16xi32>,
        %add3A_182 = arith.constant 192 : i32
        %add3A_183 = vector.broadcast %add3A_182 : i32 to vector<16xi32>
        %add3A_184 = arith.addi %iota3A, %add3A_183 : vector<16xi32>
        tpu.vector_store_idx %arg7[%add3A_184, %get3A_181], %broadcast_in_dim3A_14 : memref<256x128xi32, #tpu.memory_space<vmem>>[vector<16xi32>, vector<16xi32>], vector<16xi32>,
        %mul3A_185 = arith.constant 256 : i32
        %mul3A_186 = arith.muli %add3A_51, %mul3A_185 : i32
        %add3A_187 = arith.constant 208 : i32
        %add3A_188 = arith.addi %mul3A_186, %add3A_187 : i32
        %get3A_189 = arith.index_cast %add3A_188 : i32 to index
        %get3A_190 = tpu.vector_load %arg5[%get3A_189] {strides = array<i32>} : memref<13568xi32, #tpu.memory_space<vmem>>, vector<16xi32>,
        %add3A_191 = arith.constant 208 : i32
        %add3A_192 = vector.broadcast %add3A_191 : i32 to vector<16xi32>
        %add3A_193 = arith.addi %iota3A, %add3A_192 : vector<16xi32>
        tpu.vector_store_idx %arg7[%add3A_193, %get3A_190], %broadcast_in_dim3A_14 : memref<256x128xi32, #tpu.memory_space<vmem>>[vector<16xi32>, vector<16xi32>], vector<16xi32>,
        %mul3A_194 = arith.constant 256 : i32
        %mul3A_195 = arith.muli %add3A_51, %mul3A_194 : i32
        %add3A_196 = arith.constant 224 : i32
        %add3A_197 = arith.addi %mul3A_195, %add3A_196 : i32
        %get3A_198 = arith.index_cast %add3A_197 : i32 to index
        %get3A_199 = tpu.vector_load %arg5[%get3A_198] {strides = array<i32>} : memref<13568xi32, #tpu.memory_space<vmem>>, vector<16xi32>,
        %add3A_200 = arith.constant 224 : i32
        %add3A_201 = vector.broadcast %add3A_200 : i32 to vector<16xi32>
        %add3A_202 = arith.addi %iota3A, %add3A_201 : vector<16xi32>
        tpu.vector_store_idx %arg7[%add3A_202, %get3A_199], %broadcast_in_dim3A_14 : memref<256x128xi32, #tpu.memory_space<vmem>>[vector<16xi32>, vector<16xi32>], vector<16xi32>,
        %mul3A_203 = arith.constant 256 : i32
        %mul3A_204 = arith.muli %add3A_51, %mul3A_203 : i32
        %add3A_205 = arith.constant 240 : i32
        %add3A_206 = arith.addi %mul3A_204, %add3A_205 : i32
        %get3A_207 = arith.index_cast %add3A_206 : i32 to index
        %get3A_208 = tpu.vector_load %arg5[%get3A_207] {strides = array<i32>} : memref<13568xi32, #tpu.memory_space<vmem>>, vector<16xi32>,
        %add3A_209 = arith.constant 240 : i32
        %add3A_210 = vector.broadcast %add3A_209 : i32 to vector<16xi32>
        %add3A_211 = arith.addi %iota3A, %add3A_210 : vector<16xi32>
        tpu.vector_store_idx %arg7[%add3A_211, %get3A_208], %broadcast_in_dim3A_14 : memref<256x128xi32, #tpu.memory_space<vmem>>[vector<16xi32>, vector<16xi32>], vector<16xi32>,
        %mul3A_212 = arith.constant 256 : i32
        %mul3A_213 = arith.muli %add3A_64, %mul3A_212 : i32
        %dma_start3A = arith.constant 0 : i32
        %dma_start3A_214 = tpu.memref_slice %arg4[%mul3A_213, %dma_start3A] : memref<425984x128xi32, #tpu.memory_space<hbm>> -> memref<256x128xi32, #tpu.memory_space<hbm>>
        %dma_start3A_215 = arith.constant 0 : i32
        %dma_start3A_216 = tpu.memref_slice %arg4[%mul3A_213, %dma_start3A_215] : memref<425984x128xi32, #tpu.memory_space<hbm>> -> memref<256x128xi32, #tpu.memory_space<hbm>>
        tpu.enqueue_dma source(%arg7 : memref<256x128xi32, #tpu.memory_space<vmem>>) target(%dma_start3A_216 : memref<256x128xi32, #tpu.memory_space<hbm>>) target_semaphore(%arg10 : memref<!tpu.dma_semaphore, #tpu.memory_space<semaphore_mem>>)
      } else {
      }
      %mul3A_56 = arith.constant 3 : i32
      %mul3A_57 = arith.muli %scan3A_39, %mul3A_56 : i32
      %add3A_58 = arith.constant 2 : i32
      %add3A_59 = arith.addi %mul3A_57, %add3A_58 : i32
      %lt3A_60 = arith.cmpi slt, %add3A_59, %add3A_4 : i32
      %convert_element_type3A_61 = arith.extui %lt3A_60 : i1 to i32
      %cond3A_62 = arith.constant 0 : i32
      %cond3A_63 = arith.cmpi ne, %convert_element_type3A_61, %cond3A_62 : i32
      scf.if %cond3A_63 {
        %add3A_64 = arith.addi %add3A_8, %add3A_59 : i32
        %ge3A = arith.constant 3 : i32
        %ge3A_65 = arith.cmpi sge, %add3A_59, %ge3A : i32
        %convert_element_type3A_66 = arith.extui %ge3A_65 : i1 to i32
        %cond3A_67 = arith.constant 0 : i32
        %cond3A_68 = arith.cmpi ne, %convert_element_type3A_66, %cond3A_67 : i32
        scf.if %cond3A_68 {
          %mul3A_217 = arith.constant 256 : i32
          %mul3A_218 = arith.muli %add3A_64, %mul3A_217 : i32
          %dma_wait3A_219 = arith.constant 0 : i32
          %dma_wait3A_220 = tpu.memref_slice %arg4[%mul3A_218, %dma_wait3A_219] : memref<425984x128xi32, #tpu.memory_space<hbm>> -> memref<256x128xi32, #tpu.memory_space<hbm>>
          %dma_wait3A_221 = arith.constant 0 : i32
          %dma_wait3A_222 = tpu.memref_slice %arg4[%mul3A_218, %dma_wait3A_221] : memref<425984x128xi32, #tpu.memory_space<hbm>> -> memref<256x128xi32, #tpu.memory_space<hbm>>
          tpu.wait_dma2 semaphore(%arg11 : memref<!tpu.dma_semaphore, #tpu.memory_space<semaphore_mem>>) src(%arg8 : memref<256x128xi32, #tpu.memory_space<vmem>>) dst(%dma_wait3A_222 : memref<256x128xi32, #tpu.memory_space<hbm>>)
          %sub3A = arith.constant 3 : i32
          %sub3A_223 = arith.subi %add3A_59, %sub3A : i32
          %mul3A_224 = arith.constant 256 : i32
          %mul3A_225 = arith.muli %sub3A_223, %mul3A_224 : i32
          %add3A_226 = arith.constant 0 : i32
          %add3A_227 = arith.addi %mul3A_225, %add3A_226 : i32
          %get3A_228 = arith.index_cast %add3A_227 : i32 to index
          %get3A_229 = tpu.vector_load %arg5[%get3A_228] {strides = array<i32>} : memref<13568xi32, #tpu.memory_space<vmem>>, vector<16xi32>,
          %add3A_230 = arith.constant 0 : i32
          %add3A_231 = vector.broadcast %add3A_230 : i32 to vector<16xi32>
          %add3A_232 = arith.addi %iota3A, %add3A_231 : vector<16xi32>
          tpu.vector_store_idx %arg8[%add3A_232, %get3A_229], %broadcast_in_dim3A_16 : memref<256x128xi32, #tpu.memory_space<vmem>>[vector<16xi32>, vector<16xi32>], vector<16xi32>,
          %sub3A_233 = arith.constant 3 : i32
          %sub3A_234 = arith.subi %add3A_59, %sub3A_233 : i32
          %mul3A_235 = arith.constant 256 : i32
          %mul3A_236 = arith.muli %sub3A_234, %mul3A_235 : i32
          %add3A_237 = arith.constant 16 : i32
          %add3A_238 = arith.addi %mul3A_236, %add3A_237 : i32
          %get3A_239 = arith.index_cast %add3A_238 : i32 to index
          %get3A_240 = tpu.vector_load %arg5[%get3A_239] {strides = array<i32>} : memref<13568xi32, #tpu.memory_space<vmem>>, vector<16xi32>,
          %add3A_241 = arith.constant 16 : i32
          %add3A_242 = vector.broadcast %add3A_241 : i32 to vector<16xi32>
          %add3A_243 = arith.addi %iota3A, %add3A_242 : vector<16xi32>
          tpu.vector_store_idx %arg8[%add3A_243, %get3A_240], %broadcast_in_dim3A_16 : memref<256x128xi32, #tpu.memory_space<vmem>>[vector<16xi32>, vector<16xi32>], vector<16xi32>,
          %sub3A_244 = arith.constant 3 : i32
          %sub3A_245 = arith.subi %add3A_59, %sub3A_244 : i32
          %mul3A_246 = arith.constant 256 : i32
          %mul3A_247 = arith.muli %sub3A_245, %mul3A_246 : i32
          %add3A_248 = arith.constant 32 : i32
          %add3A_249 = arith.addi %mul3A_247, %add3A_248 : i32
          %get3A_250 = arith.index_cast %add3A_249 : i32 to index
          %get3A_251 = tpu.vector_load %arg5[%get3A_250] {strides = array<i32>} : memref<13568xi32, #tpu.memory_space<vmem>>, vector<16xi32>,
          %add3A_252 = arith.constant 32 : i32
          %add3A_253 = vector.broadcast %add3A_252 : i32 to vector<16xi32>
          %add3A_254 = arith.addi %iota3A, %add3A_253 : vector<16xi32>
          tpu.vector_store_idx %arg8[%add3A_254, %get3A_251], %broadcast_in_dim3A_16 : memref<256x128xi32, #tpu.memory_space<vmem>>[vector<16xi32>, vector<16xi32>], vector<16xi32>,
          %sub3A_255 = arith.constant 3 : i32
          %sub3A_256 = arith.subi %add3A_59, %sub3A_255 : i32
          %mul3A_257 = arith.constant 256 : i32
          %mul3A_258 = arith.muli %sub3A_256, %mul3A_257 : i32
          %add3A_259 = arith.constant 48 : i32
          %add3A_260 = arith.addi %mul3A_258, %add3A_259 : i32
          %get3A_261 = arith.index_cast %add3A_260 : i32 to index
          %get3A_262 = tpu.vector_load %arg5[%get3A_261] {strides = array<i32>} : memref<13568xi32, #tpu.memory_space<vmem>>, vector<16xi32>,
          %add3A_263 = arith.constant 48 : i32
          %add3A_264 = vector.broadcast %add3A_263 : i32 to vector<16xi32>
          %add3A_265 = arith.addi %iota3A, %add3A_264 : vector<16xi32>
          tpu.vector_store_idx %arg8[%add3A_265, %get3A_262], %broadcast_in_dim3A_16 : memref<256x128xi32, #tpu.memory_space<vmem>>[vector<16xi32>, vector<16xi32>], vector<16xi32>,
          %sub3A_266 = arith.constant 3 : i32
          %sub3A_267 = arith.subi %add3A_59, %sub3A_266 : i32
          %mul3A_268 = arith.constant 256 : i32
          %mul3A_269 = arith.muli %sub3A_267, %mul3A_268 : i32
          %add3A_270 = arith.constant 64 : i32
          %add3A_271 = arith.addi %mul3A_269, %add3A_270 : i32
          %get3A_272 = arith.index_cast %add3A_271 : i32 to index
          %get3A_273 = tpu.vector_load %arg5[%get3A_272] {strides = array<i32>} : memref<13568xi32, #tpu.memory_space<vmem>>, vector<16xi32>,
          %add3A_274 = arith.constant 64 : i32
          %add3A_275 = vector.broadcast %add3A_274 : i32 to vector<16xi32>
          %add3A_276 = arith.addi %iota3A, %add3A_275 : vector<16xi32>
          tpu.vector_store_idx %arg8[%add3A_276, %get3A_273], %broadcast_in_dim3A_16 : memref<256x128xi32, #tpu.memory_space<vmem>>[vector<16xi32>, vector<16xi32>], vector<16xi32>,
          %sub3A_277 = arith.constant 3 : i32
          %sub3A_278 = arith.subi %add3A_59, %sub3A_277 : i32
          %mul3A_279 = arith.constant 256 : i32
          %mul3A_280 = arith.muli %sub3A_278, %mul3A_279 : i32
          %add3A_281 = arith.constant 80 : i32
          %add3A_282 = arith.addi %mul3A_280, %add3A_281 : i32
          %get3A_283 = arith.index_cast %add3A_282 : i32 to index
          %get3A_284 = tpu.vector_load %arg5[%get3A_283] {strides = array<i32>} : memref<13568xi32, #tpu.memory_space<vmem>>, vector<16xi32>,
          %add3A_285 = arith.constant 80 : i32
          %add3A_286 = vector.broadcast %add3A_285 : i32 to vector<16xi32>
          %add3A_287 = arith.addi %iota3A, %add3A_286 : vector<16xi32>
          tpu.vector_store_idx %arg8[%add3A_287, %get3A_284], %broadcast_in_dim3A_16 : memref<256x128xi32, #tpu.memory_space<vmem>>[vector<16xi32>, vector<16xi32>], vector<16xi32>,
          %sub3A_288 = arith.constant 3 : i32
          %sub3A_289 = arith.subi %add3A_59, %sub3A_288 : i32
          %mul3A_290 = arith.constant 256 : i32
          %mul3A_291 = arith.muli %sub3A_289, %mul3A_290 : i32
          %add3A_292 = arith.constant 96 : i32
          %add3A_293 = arith.addi %mul3A_291, %add3A_292 : i32
          %get3A_294 = arith.index_cast %add3A_293 : i32 to index
          %get3A_295 = tpu.vector_load %arg5[%get3A_294] {strides = array<i32>} : memref<13568xi32, #tpu.memory_space<vmem>>, vector<16xi32>,
          %add3A_296 = arith.constant 96 : i32
          %add3A_297 = vector.broadcast %add3A_296 : i32 to vector<16xi32>
          %add3A_298 = arith.addi %iota3A, %add3A_297 : vector<16xi32>
          tpu.vector_store_idx %arg8[%add3A_298, %get3A_295], %broadcast_in_dim3A_16 : memref<256x128xi32, #tpu.memory_space<vmem>>[vector<16xi32>, vector<16xi32>], vector<16xi32>,
          %sub3A_299 = arith.constant 3 : i32
          %sub3A_300 = arith.subi %add3A_59, %sub3A_299 : i32
          %mul3A_301 = arith.constant 256 : i32
          %mul3A_302 = arith.muli %sub3A_300, %mul3A_301 : i32
          %add3A_303 = arith.constant 112 : i32
          %add3A_304 = arith.addi %mul3A_302, %add3A_303 : i32
          %get3A_305 = arith.index_cast %add3A_304 : i32 to index
          %get3A_306 = tpu.vector_load %arg5[%get3A_305] {strides = array<i32>} : memref<13568xi32, #tpu.memory_space<vmem>>, vector<16xi32>,
          %add3A_307 = arith.constant 112 : i32
          %add3A_308 = vector.broadcast %add3A_307 : i32 to vector<16xi32>
          %add3A_309 = arith.addi %iota3A, %add3A_308 : vector<16xi32>
          tpu.vector_store_idx %arg8[%add3A_309, %get3A_306], %broadcast_in_dim3A_16 : memref<256x128xi32, #tpu.memory_space<vmem>>[vector<16xi32>, vector<16xi32>], vector<16xi32>,
          %sub3A_310 = arith.constant 3 : i32
          %sub3A_311 = arith.subi %add3A_59, %sub3A_310 : i32
          %mul3A_312 = arith.constant 256 : i32
          %mul3A_313 = arith.muli %sub3A_311, %mul3A_312 : i32
          %add3A_314 = arith.constant 128 : i32
          %add3A_315 = arith.addi %mul3A_313, %add3A_314 : i32
          %get3A_316 = arith.index_cast %add3A_315 : i32 to index
          %get3A_317 = tpu.vector_load %arg5[%get3A_316] {strides = array<i32>} : memref<13568xi32, #tpu.memory_space<vmem>>, vector<16xi32>,
          %add3A_318 = arith.constant 128 : i32
          %add3A_319 = vector.broadcast %add3A_318 : i32 to vector<16xi32>
          %add3A_320 = arith.addi %iota3A, %add3A_319 : vector<16xi32>
          tpu.vector_store_idx %arg8[%add3A_320, %get3A_317], %broadcast_in_dim3A_16 : memref<256x128xi32, #tpu.memory_space<vmem>>[vector<16xi32>, vector<16xi32>], vector<16xi32>,
          %sub3A_321 = arith.constant 3 : i32
          %sub3A_322 = arith.subi %add3A_59, %sub3A_321 : i32
          %mul3A_323 = arith.constant 256 : i32
          %mul3A_324 = arith.muli %sub3A_322, %mul3A_323 : i32
          %add3A_325 = arith.constant 144 : i32
          %add3A_326 = arith.addi %mul3A_324, %add3A_325 : i32
          %get3A_327 = arith.index_cast %add3A_326 : i32 to index
          %get3A_328 = tpu.vector_load %arg5[%get3A_327] {strides = array<i32>} : memref<13568xi32, #tpu.memory_space<vmem>>, vector<16xi32>,
          %add3A_329 = arith.constant 144 : i32
          %add3A_330 = vector.broadcast %add3A_329 : i32 to vector<16xi32>
          %add3A_331 = arith.addi %iota3A, %add3A_330 : vector<16xi32>
          tpu.vector_store_idx %arg8[%add3A_331, %get3A_328], %broadcast_in_dim3A_16 : memref<256x128xi32, #tpu.memory_space<vmem>>[vector<16xi32>, vector<16xi32>], vector<16xi32>,
          %sub3A_332 = arith.constant 3 : i32
          %sub3A_333 = arith.subi %add3A_59, %sub3A_332 : i32
          %mul3A_334 = arith.constant 256 : i32
          %mul3A_335 = arith.muli %sub3A_333, %mul3A_334 : i32
          %add3A_336 = arith.constant 160 : i32
          %add3A_337 = arith.addi %mul3A_335, %add3A_336 : i32
          %get3A_338 = arith.index_cast %add3A_337 : i32 to index
          %get3A_339 = tpu.vector_load %arg5[%get3A_338] {strides = array<i32>} : memref<13568xi32, #tpu.memory_space<vmem>>, vector<16xi32>,
          %add3A_340 = arith.constant 160 : i32
          %add3A_341 = vector.broadcast %add3A_340 : i32 to vector<16xi32>
          %add3A_342 = arith.addi %iota3A, %add3A_341 : vector<16xi32>
          tpu.vector_store_idx %arg8[%add3A_342, %get3A_339], %broadcast_in_dim3A_16 : memref<256x128xi32, #tpu.memory_space<vmem>>[vector<16xi32>, vector<16xi32>], vector<16xi32>,
          %sub3A_343 = arith.constant 3 : i32
          %sub3A_344 = arith.subi %add3A_59, %sub3A_343 : i32
          %mul3A_345 = arith.constant 256 : i32
          %mul3A_346 = arith.muli %sub3A_344, %mul3A_345 : i32
          %add3A_347 = arith.constant 176 : i32
          %add3A_348 = arith.addi %mul3A_346, %add3A_347 : i32
          %get3A_349 = arith.index_cast %add3A_348 : i32 to index
          %get3A_350 = tpu.vector_load %arg5[%get3A_349] {strides = array<i32>} : memref<13568xi32, #tpu.memory_space<vmem>>, vector<16xi32>,
          %add3A_351 = arith.constant 176 : i32
          %add3A_352 = vector.broadcast %add3A_351 : i32 to vector<16xi32>
          %add3A_353 = arith.addi %iota3A, %add3A_352 : vector<16xi32>
          tpu.vector_store_idx %arg8[%add3A_353, %get3A_350], %broadcast_in_dim3A_16 : memref<256x128xi32, #tpu.memory_space<vmem>>[vector<16xi32>, vector<16xi32>], vector<16xi32>,
          %sub3A_354 = arith.constant 3 : i32
          %sub3A_355 = arith.subi %add3A_59, %sub3A_354 : i32
          %mul3A_356 = arith.constant 256 : i32
          %mul3A_357 = arith.muli %sub3A_355, %mul3A_356 : i32
          %add3A_358 = arith.constant 192 : i32
          %add3A_359 = arith.addi %mul3A_357, %add3A_358 : i32
          %get3A_360 = arith.index_cast %add3A_359 : i32 to index
          %get3A_361 = tpu.vector_load %arg5[%get3A_360] {strides = array<i32>} : memref<13568xi32, #tpu.memory_space<vmem>>, vector<16xi32>,
          %add3A_362 = arith.constant 192 : i32
          %add3A_363 = vector.broadcast %add3A_362 : i32 to vector<16xi32>
          %add3A_364 = arith.addi %iota3A, %add3A_363 : vector<16xi32>
          tpu.vector_store_idx %arg8[%add3A_364, %get3A_361], %broadcast_in_dim3A_16 : memref<256x128xi32, #tpu.memory_space<vmem>>[vector<16xi32>, vector<16xi32>], vector<16xi32>,
          %sub3A_365 = arith.constant 3 : i32
          %sub3A_366 = arith.subi %add3A_59, %sub3A_365 : i32
          %mul3A_367 = arith.constant 256 : i32
          %mul3A_368 = arith.muli %sub3A_366, %mul3A_367 : i32
          %add3A_369 = arith.constant 208 : i32
          %add3A_370 = arith.addi %mul3A_368, %add3A_369 : i32
          %get3A_371 = arith.index_cast %add3A_370 : i32 to index
          %get3A_372 = tpu.vector_load %arg5[%get3A_371] {strides = array<i32>} : memref<13568xi32, #tpu.memory_space<vmem>>, vector<16xi32>,
          %add3A_373 = arith.constant 208 : i32
          %add3A_374 = vector.broadcast %add3A_373 : i32 to vector<16xi32>
          %add3A_375 = arith.addi %iota3A, %add3A_374 : vector<16xi32>
          tpu.vector_store_idx %arg8[%add3A_375, %get3A_372], %broadcast_in_dim3A_16 : memref<256x128xi32, #tpu.memory_space<vmem>>[vector<16xi32>, vector<16xi32>], vector<16xi32>,
          %sub3A_376 = arith.constant 3 : i32
          %sub3A_377 = arith.subi %add3A_59, %sub3A_376 : i32
          %mul3A_378 = arith.constant 256 : i32
          %mul3A_379 = arith.muli %sub3A_377, %mul3A_378 : i32
          %add3A_380 = arith.constant 224 : i32
          %add3A_381 = arith.addi %mul3A_379, %add3A_380 : i32
          %get3A_382 = arith.index_cast %add3A_381 : i32 to index
          %get3A_383 = tpu.vector_load %arg5[%get3A_382] {strides = array<i32>} : memref<13568xi32, #tpu.memory_space<vmem>>, vector<16xi32>,
          %add3A_384 = arith.constant 224 : i32
          %add3A_385 = vector.broadcast %add3A_384 : i32 to vector<16xi32>
          %add3A_386 = arith.addi %iota3A, %add3A_385 : vector<16xi32>
          tpu.vector_store_idx %arg8[%add3A_386, %get3A_383], %broadcast_in_dim3A_16 : memref<256x128xi32, #tpu.memory_space<vmem>>[vector<16xi32>, vector<16xi32>], vector<16xi32>,
          %sub3A_387 = arith.constant 3 : i32
          %sub3A_388 = arith.subi %add3A_59, %sub3A_387 : i32
          %mul3A_389 = arith.constant 256 : i32
          %mul3A_390 = arith.muli %sub3A_388, %mul3A_389 : i32
          %add3A_391 = arith.constant 240 : i32
          %add3A_392 = arith.addi %mul3A_390, %add3A_391 : i32
          %get3A_393 = arith.index_cast %add3A_392 : i32 to index
          %get3A_394 = tpu.vector_load %arg5[%get3A_393] {strides = array<i32>} : memref<13568xi32, #tpu.memory_space<vmem>>, vector<16xi32>,
          %add3A_395 = arith.constant 240 : i32
          %add3A_396 = vector.broadcast %add3A_395 : i32 to vector<16xi32>
          %add3A_397 = arith.addi %iota3A, %add3A_396 : vector<16xi32>
          tpu.vector_store_idx %arg8[%add3A_397, %get3A_394], %broadcast_in_dim3A_16 : memref<256x128xi32, #tpu.memory_space<vmem>>[vector<16xi32>, vector<16xi32>], vector<16xi32>,
        } else {
        }
        %mul3A_69 = arith.constant 256 : i32
        %mul3A_70 = arith.muli %add3A_59, %mul3A_69 : i32
        %add3A_71 = arith.constant 0 : i32
        %add3A_72 = arith.addi %mul3A_70, %add3A_71 : i32
        %get3A = arith.index_cast %add3A_72 : i32 to index
        %get3A_73 = tpu.vector_load %arg5[%get3A] {strides = array<i32>} : memref<13568xi32, #tpu.memory_space<vmem>>, vector<16xi32>,
        %add3A_74 = arith.constant 0 : i32
        %add3A_75 = vector.broadcast %add3A_74 : i32 to vector<16xi32>
        %add3A_76 = arith.addi %iota3A, %add3A_75 : vector<16xi32>
        tpu.vector_store_idx %arg8[%add3A_76, %get3A_73], %broadcast_in_dim3A_14 : memref<256x128xi32, #tpu.memory_space<vmem>>[vector<16xi32>, vector<16xi32>], vector<16xi32>,
        %mul3A_77 = arith.constant 256 : i32
        %mul3A_78 = arith.muli %add3A_59, %mul3A_77 : i32
        %add3A_79 = arith.constant 16 : i32
        %add3A_80 = arith.addi %mul3A_78, %add3A_79 : i32
        %get3A_81 = arith.index_cast %add3A_80 : i32 to index
        %get3A_82 = tpu.vector_load %arg5[%get3A_81] {strides = array<i32>} : memref<13568xi32, #tpu.memory_space<vmem>>, vector<16xi32>,
        %add3A_83 = arith.constant 16 : i32
        %add3A_84 = vector.broadcast %add3A_83 : i32 to vector<16xi32>
        %add3A_85 = arith.addi %iota3A, %add3A_84 : vector<16xi32>
        tpu.vector_store_idx %arg8[%add3A_85, %get3A_82], %broadcast_in_dim3A_14 : memref<256x128xi32, #tpu.memory_space<vmem>>[vector<16xi32>, vector<16xi32>], vector<16xi32>,
        %mul3A_86 = arith.constant 256 : i32
        %mul3A_87 = arith.muli %add3A_59, %mul3A_86 : i32
        %add3A_88 = arith.constant 32 : i32
        %add3A_89 = arith.addi %mul3A_87, %add3A_88 : i32
        %get3A_90 = arith.index_cast %add3A_89 : i32 to index
        %get3A_91 = tpu.vector_load %arg5[%get3A_90] {strides = array<i32>} : memref<13568xi32, #tpu.memory_space<vmem>>, vector<16xi32>,
        %add3A_92 = arith.constant 32 : i32
        %add3A_93 = vector.broadcast %add3A_92 : i32 to vector<16xi32>
        %add3A_94 = arith.addi %iota3A, %add3A_93 : vector<16xi32>
        tpu.vector_store_idx %arg8[%add3A_94, %get3A_91], %broadcast_in_dim3A_14 : memref<256x128xi32, #tpu.memory_space<vmem>>[vector<16xi32>, vector<16xi32>], vector<16xi32>,
        %mul3A_95 = arith.constant 256 : i32
        %mul3A_96 = arith.muli %add3A_59, %mul3A_95 : i32
        %add3A_97 = arith.constant 48 : i32
        %add3A_98 = arith.addi %mul3A_96, %add3A_97 : i32
        %get3A_99 = arith.index_cast %add3A_98 : i32 to index
        %get3A_100 = tpu.vector_load %arg5[%get3A_99] {strides = array<i32>} : memref<13568xi32, #tpu.memory_space<vmem>>, vector<16xi32>,
        %add3A_101 = arith.constant 48 : i32
        %add3A_102 = vector.broadcast %add3A_101 : i32 to vector<16xi32>
        %add3A_103 = arith.addi %iota3A, %add3A_102 : vector<16xi32>
        tpu.vector_store_idx %arg8[%add3A_103, %get3A_100], %broadcast_in_dim3A_14 : memref<256x128xi32, #tpu.memory_space<vmem>>[vector<16xi32>, vector<16xi32>], vector<16xi32>,
        %mul3A_104 = arith.constant 256 : i32
        %mul3A_105 = arith.muli %add3A_59, %mul3A_104 : i32
        %add3A_106 = arith.constant 64 : i32
        %add3A_107 = arith.addi %mul3A_105, %add3A_106 : i32
        %get3A_108 = arith.index_cast %add3A_107 : i32 to index
        %get3A_109 = tpu.vector_load %arg5[%get3A_108] {strides = array<i32>} : memref<13568xi32, #tpu.memory_space<vmem>>, vector<16xi32>,
        %add3A_110 = arith.constant 64 : i32
        %add3A_111 = vector.broadcast %add3A_110 : i32 to vector<16xi32>
        %add3A_112 = arith.addi %iota3A, %add3A_111 : vector<16xi32>
        tpu.vector_store_idx %arg8[%add3A_112, %get3A_109], %broadcast_in_dim3A_14 : memref<256x128xi32, #tpu.memory_space<vmem>>[vector<16xi32>, vector<16xi32>], vector<16xi32>,
        %mul3A_113 = arith.constant 256 : i32
        %mul3A_114 = arith.muli %add3A_59, %mul3A_113 : i32
        %add3A_115 = arith.constant 80 : i32
        %add3A_116 = arith.addi %mul3A_114, %add3A_115 : i32
        %get3A_117 = arith.index_cast %add3A_116 : i32 to index
        %get3A_118 = tpu.vector_load %arg5[%get3A_117] {strides = array<i32>} : memref<13568xi32, #tpu.memory_space<vmem>>, vector<16xi32>,
        %add3A_119 = arith.constant 80 : i32
        %add3A_120 = vector.broadcast %add3A_119 : i32 to vector<16xi32>
        %add3A_121 = arith.addi %iota3A, %add3A_120 : vector<16xi32>
        tpu.vector_store_idx %arg8[%add3A_121, %get3A_118], %broadcast_in_dim3A_14 : memref<256x128xi32, #tpu.memory_space<vmem>>[vector<16xi32>, vector<16xi32>], vector<16xi32>,
        %mul3A_122 = arith.constant 256 : i32
        %mul3A_123 = arith.muli %add3A_59, %mul3A_122 : i32
        %add3A_124 = arith.constant 96 : i32
        %add3A_125 = arith.addi %mul3A_123, %add3A_124 : i32
        %get3A_126 = arith.index_cast %add3A_125 : i32 to index
        %get3A_127 = tpu.vector_load %arg5[%get3A_126] {strides = array<i32>} : memref<13568xi32, #tpu.memory_space<vmem>>, vector<16xi32>,
        %add3A_128 = arith.constant 96 : i32
        %add3A_129 = vector.broadcast %add3A_128 : i32 to vector<16xi32>
        %add3A_130 = arith.addi %iota3A, %add3A_129 : vector<16xi32>
        tpu.vector_store_idx %arg8[%add3A_130, %get3A_127], %broadcast_in_dim3A_14 : memref<256x128xi32, #tpu.memory_space<vmem>>[vector<16xi32>, vector<16xi32>], vector<16xi32>,
        %mul3A_131 = arith.constant 256 : i32
        %mul3A_132 = arith.muli %add3A_59, %mul3A_131 : i32
        %add3A_133 = arith.constant 112 : i32
        %add3A_134 = arith.addi %mul3A_132, %add3A_133 : i32
        %get3A_135 = arith.index_cast %add3A_134 : i32 to index
        %get3A_136 = tpu.vector_load %arg5[%get3A_135] {strides = array<i32>} : memref<13568xi32, #tpu.memory_space<vmem>>, vector<16xi32>,
        %add3A_137 = arith.constant 112 : i32
        %add3A_138 = vector.broadcast %add3A_137 : i32 to vector<16xi32>
        %add3A_139 = arith.addi %iota3A, %add3A_138 : vector<16xi32>
        tpu.vector_store_idx %arg8[%add3A_139, %get3A_136], %broadcast_in_dim3A_14 : memref<256x128xi32, #tpu.memory_space<vmem>>[vector<16xi32>, vector<16xi32>], vector<16xi32>,
        %mul3A_140 = arith.constant 256 : i32
        %mul3A_141 = arith.muli %add3A_59, %mul3A_140 : i32
        %add3A_142 = arith.constant 128 : i32
        %add3A_143 = arith.addi %mul3A_141, %add3A_142 : i32
        %get3A_144 = arith.index_cast %add3A_143 : i32 to index
        %get3A_145 = tpu.vector_load %arg5[%get3A_144] {strides = array<i32>} : memref<13568xi32, #tpu.memory_space<vmem>>, vector<16xi32>,
        %add3A_146 = arith.constant 128 : i32
        %add3A_147 = vector.broadcast %add3A_146 : i32 to vector<16xi32>
        %add3A_148 = arith.addi %iota3A, %add3A_147 : vector<16xi32>
        tpu.vector_store_idx %arg8[%add3A_148, %get3A_145], %broadcast_in_dim3A_14 : memref<256x128xi32, #tpu.memory_space<vmem>>[vector<16xi32>, vector<16xi32>], vector<16xi32>,
        %mul3A_149 = arith.constant 256 : i32
        %mul3A_150 = arith.muli %add3A_59, %mul3A_149 : i32
        %add3A_151 = arith.constant 144 : i32
        %add3A_152 = arith.addi %mul3A_150, %add3A_151 : i32
        %get3A_153 = arith.index_cast %add3A_152 : i32 to index
        %get3A_154 = tpu.vector_load %arg5[%get3A_153] {strides = array<i32>} : memref<13568xi32, #tpu.memory_space<vmem>>, vector<16xi32>,
        %add3A_155 = arith.constant 144 : i32
        %add3A_156 = vector.broadcast %add3A_155 : i32 to vector<16xi32>
        %add3A_157 = arith.addi %iota3A, %add3A_156 : vector<16xi32>
        tpu.vector_store_idx %arg8[%add3A_157, %get3A_154], %broadcast_in_dim3A_14 : memref<256x128xi32, #tpu.memory_space<vmem>>[vector<16xi32>, vector<16xi32>], vector<16xi32>,
        %mul3A_158 = arith.constant 256 : i32
        %mul3A_159 = arith.muli %add3A_59, %mul3A_158 : i32
        %add3A_160 = arith.constant 160 : i32
        %add3A_161 = arith.addi %mul3A_159, %add3A_160 : i32
        %get3A_162 = arith.index_cast %add3A_161 : i32 to index
        %get3A_163 = tpu.vector_load %arg5[%get3A_162] {strides = array<i32>} : memref<13568xi32, #tpu.memory_space<vmem>>, vector<16xi32>,
        %add3A_164 = arith.constant 160 : i32
        %add3A_165 = vector.broadcast %add3A_164 : i32 to vector<16xi32>
        %add3A_166 = arith.addi %iota3A, %add3A_165 : vector<16xi32>
        tpu.vector_store_idx %arg8[%add3A_166, %get3A_163], %broadcast_in_dim3A_14 : memref<256x128xi32, #tpu.memory_space<vmem>>[vector<16xi32>, vector<16xi32>], vector<16xi32>,
        %mul3A_167 = arith.constant 256 : i32
        %mul3A_168 = arith.muli %add3A_59, %mul3A_167 : i32
        %add3A_169 = arith.constant 176 : i32
        %add3A_170 = arith.addi %mul3A_168, %add3A_169 : i32
        %get3A_171 = arith.index_cast %add3A_170 : i32 to index
        %get3A_172 = tpu.vector_load %arg5[%get3A_171] {strides = array<i32>} : memref<13568xi32, #tpu.memory_space<vmem>>, vector<16xi32>,
        %add3A_173 = arith.constant 176 : i32
        %add3A_174 = vector.broadcast %add3A_173 : i32 to vector<16xi32>
        %add3A_175 = arith.addi %iota3A, %add3A_174 : vector<16xi32>
        tpu.vector_store_idx %arg8[%add3A_175, %get3A_172], %broadcast_in_dim3A_14 : memref<256x128xi32, #tpu.memory_space<vmem>>[vector<16xi32>, vector<16xi32>], vector<16xi32>,
        %mul3A_176 = arith.constant 256 : i32
        %mul3A_177 = arith.muli %add3A_59, %mul3A_176 : i32
        %add3A_178 = arith.constant 192 : i32
        %add3A_179 = arith.addi %mul3A_177, %add3A_178 : i32
        %get3A_180 = arith.index_cast %add3A_179 : i32 to index
        %get3A_181 = tpu.vector_load %arg5[%get3A_180] {strides = array<i32>} : memref<13568xi32, #tpu.memory_space<vmem>>, vector<16xi32>,
        %add3A_182 = arith.constant 192 : i32
        %add3A_183 = vector.broadcast %add3A_182 : i32 to vector<16xi32>
        %add3A_184 = arith.addi %iota3A, %add3A_183 : vector<16xi32>
        tpu.vector_store_idx %arg8[%add3A_184, %get3A_181], %broadcast_in_dim3A_14 : memref<256x128xi32, #tpu.memory_space<vmem>>[vector<16xi32>, vector<16xi32>], vector<16xi32>,
        %mul3A_185 = arith.constant 256 : i32
        %mul3A_186 = arith.muli %add3A_59, %mul3A_185 : i32
        %add3A_187 = arith.constant 208 : i32
        %add3A_188 = arith.addi %mul3A_186, %add3A_187 : i32
        %get3A_189 = arith.index_cast %add3A_188 : i32 to index
        %get3A_190 = tpu.vector_load %arg5[%get3A_189] {strides = array<i32>} : memref<13568xi32, #tpu.memory_space<vmem>>, vector<16xi32>,
        %add3A_191 = arith.constant 208 : i32
        %add3A_192 = vector.broadcast %add3A_191 : i32 to vector<16xi32>
        %add3A_193 = arith.addi %iota3A, %add3A_192 : vector<16xi32>
        tpu.vector_store_idx %arg8[%add3A_193, %get3A_190], %broadcast_in_dim3A_14 : memref<256x128xi32, #tpu.memory_space<vmem>>[vector<16xi32>, vector<16xi32>], vector<16xi32>,
        %mul3A_194 = arith.constant 256 : i32
        %mul3A_195 = arith.muli %add3A_59, %mul3A_194 : i32
        %add3A_196 = arith.constant 224 : i32
        %add3A_197 = arith.addi %mul3A_195, %add3A_196 : i32
        %get3A_198 = arith.index_cast %add3A_197 : i32 to index
        %get3A_199 = tpu.vector_load %arg5[%get3A_198] {strides = array<i32>} : memref<13568xi32, #tpu.memory_space<vmem>>, vector<16xi32>,
        %add3A_200 = arith.constant 224 : i32
        %add3A_201 = vector.broadcast %add3A_200 : i32 to vector<16xi32>
        %add3A_202 = arith.addi %iota3A, %add3A_201 : vector<16xi32>
        tpu.vector_store_idx %arg8[%add3A_202, %get3A_199], %broadcast_in_dim3A_14 : memref<256x128xi32, #tpu.memory_space<vmem>>[vector<16xi32>, vector<16xi32>], vector<16xi32>,
        %mul3A_203 = arith.constant 256 : i32
        %mul3A_204 = arith.muli %add3A_59, %mul3A_203 : i32
        %add3A_205 = arith.constant 240 : i32
        %add3A_206 = arith.addi %mul3A_204, %add3A_205 : i32
        %get3A_207 = arith.index_cast %add3A_206 : i32 to index
        %get3A_208 = tpu.vector_load %arg5[%get3A_207] {strides = array<i32>} : memref<13568xi32, #tpu.memory_space<vmem>>, vector<16xi32>,
        %add3A_209 = arith.constant 240 : i32
        %add3A_210 = vector.broadcast %add3A_209 : i32 to vector<16xi32>
        %add3A_211 = arith.addi %iota3A, %add3A_210 : vector<16xi32>
        tpu.vector_store_idx %arg8[%add3A_211, %get3A_208], %broadcast_in_dim3A_14 : memref<256x128xi32, #tpu.memory_space<vmem>>[vector<16xi32>, vector<16xi32>], vector<16xi32>,
        %mul3A_212 = arith.constant 256 : i32
        %mul3A_213 = arith.muli %add3A_64, %mul3A_212 : i32
        %dma_start3A = arith.constant 0 : i32
        %dma_start3A_214 = tpu.memref_slice %arg4[%mul3A_213, %dma_start3A] : memref<425984x128xi32, #tpu.memory_space<hbm>> -> memref<256x128xi32, #tpu.memory_space<hbm>>
        %dma_start3A_215 = arith.constant 0 : i32
        %dma_start3A_216 = tpu.memref_slice %arg4[%mul3A_213, %dma_start3A_215] : memref<425984x128xi32, #tpu.memory_space<hbm>> -> memref<256x128xi32, #tpu.memory_space<hbm>>
        tpu.enqueue_dma source(%arg8 : memref<256x128xi32, #tpu.memory_space<vmem>>) target(%dma_start3A_216 : memref<256x128xi32, #tpu.memory_space<hbm>>) target_semaphore(%arg11 : memref<!tpu.dma_semaphore, #tpu.memory_space<semaphore_mem>>)
      } else {
      }
    }
    %scan3A_21 = arith.constant 18 : i32
    %dma_wait3A = arith.constant 0 : i32
    %dma_wait3A_22 = arith.constant 0 : i32
    %dma_wait3A_23 = tpu.memref_slice %arg4[%dma_wait3A, %dma_wait3A_22] : memref<425984x128xi32, #tpu.memory_space<hbm>> -> memref<256x128xi32, #tpu.memory_space<hbm>>
    %dma_wait3A_24 = arith.constant 0 : i32
    %dma_wait3A_25 = arith.constant 0 : i32
    %dma_wait3A_26 = tpu.memref_slice %arg4[%dma_wait3A_24, %dma_wait3A_25] : memref<425984x128xi32, #tpu.memory_space<hbm>> -> memref<256x128xi32, #tpu.memory_space<hbm>>
    tpu.wait_dma2 semaphore(%arg9 : memref<!tpu.dma_semaphore, #tpu.memory_space<semaphore_mem>>) src(%arg6 : memref<256x128xi32, #tpu.memory_space<vmem>>) dst(%dma_wait3A_26 : memref<256x128xi32, #tpu.memory_space<hbm>>)
    %dma_wait3A_27 = arith.constant 0 : i32
    %dma_wait3A_28 = arith.constant 0 : i32
    %dma_wait3A_29 = tpu.memref_slice %arg4[%dma_wait3A_27, %dma_wait3A_28] : memref<425984x128xi32, #tpu.memory_space<hbm>> -> memref<256x128xi32, #tpu.memory_space<hbm>>
    %dma_wait3A_30 = arith.constant 0 : i32
    %dma_wait3A_31 = arith.constant 0 : i32
    %dma_wait3A_32 = tpu.memref_slice %arg4[%dma_wait3A_30, %dma_wait3A_31] : memref<425984x128xi32, #tpu.memory_space<hbm>> -> memref<256x128xi32, #tpu.memory_space<hbm>>
    tpu.wait_dma2 semaphore(%arg10 : memref<!tpu.dma_semaphore, #tpu.memory_space<semaphore_mem>>) src(%arg7 : memref<256x128xi32, #tpu.memory_space<vmem>>) dst(%dma_wait3A_32 : memref<256x128xi32, #tpu.memory_space<hbm>>)
    %dma_wait3A_33 = arith.constant 0 : i32
    %dma_wait3A_34 = arith.constant 0 : i32
    %dma_wait3A_35 = tpu.memref_slice %arg4[%dma_wait3A_33, %dma_wait3A_34] : memref<425984x128xi32, #tpu.memory_space<hbm>> -> memref<256x128xi32, #tpu.memory_space<hbm>>
    %dma_wait3A_36 = arith.constant 0 : i32
    %dma_wait3A_37 = arith.constant 0 : i32
    %dma_wait3A_38 = tpu.memref_slice %arg4[%dma_wait3A_36, %dma_wait3A_37] : memref<425984x128xi32, #tpu.memory_space<hbm>> -> memref<256x128xi32, #tpu.memory_space<hbm>>
    tpu.wait_dma2 semaphore(%arg11 : memref<!tpu.dma_semaphore, #tpu.memory_space<semaphore_mem>>) src(%arg8 : memref<256x128xi32, #tpu.memory_space<vmem>>) dst(%dma_wait3A_38 : memref<256x128xi32, #tpu.memory_space<hbm>>)
    return
  }
}

</mosaic_0001>

<sc_bundles>
// kernel: kernel.3.cloned.1.call-start
scs
__scs_entry_jumppad:
0x0: {  	(pc) =	sbr.rel $0x88, $3  }
0x1: {  	(tag) =	ssettag $0x0;
	lr =	simm.s32 $0x1  }
0x2: {  	[smem:$0x3FA0] =	sst lr;
	_ =	strace $0xD0000000  }
0x3: {  	_ = 	snop  }
0x4: {  	_ = 	snop  }
0x5: {  	_ = 	snop  }
0x6: {  	_ = 	snop  }
0x7: {  	_ = 	snop  }
__scs_overlays_trampoline_lowered:
0x8: {  	[smem:$0x3FAF] =	sst s0  }
0x9: {  	[smem:$0x3FB0] =	sst s1  }
0xa: {  	[smem:$0x3FB1] =	sst s2  }
0xb: {  	[smem:$0x3FB2] =	sst s3  }
0xc: {  	[smem:$0x3FB3] =	sst s4  }
0xd: {  	[smem:$0x3FB4] =	sst s5  }
0xe: {  	[smem:$0x3FB5] =	sst s6  }
0xf: {  	[smem:$0x3FB6] =	sst s7  }
0x10: {  	[smem:$0x3FB7] =	sst s8  }
0x11: {  	[smem:$0x3FB8] =	sst s9;
	s0 =	simm.s32 @!p0 $0x0  }
0x12: {  	s1 =	sld [smem:$0x3F9E];
	s0 =	simm.s32 @p0 $0x1  }
0x13: {  	[smem:$0x3FB9] =	sst s0;
	s0 =	simm.s32 @!p1 $0x0  }
0x14: {  	s2 =	sld [smem:$0x3F9D];
	s0 =	simm.s32 @p1 $0x1  }
0x15: {  	[smem:$0x3FBA] =	sst s0;
	s0 =	simm.s32 @!p2 $0x0  }
0x16: {  	s3 =	sld [smem:$0x3FDB];
	s0 =	simm.s32 @p2 $0x1  }
0x17: {  	s4 =	simm.s32 $0x1BF5;
	[smem:$0x3FBC] =	sst s0  }
0x18: {  	s0 =	sld [smem:$0x3F9F];
	_ =	swait.ge [sflag:s4], $0x0  }
0x19: {  	s7 =	sld [smem:$0x3FA0]  }
0x1a: {  	s8 =	sadd.s32 $0xFFFFE003, lr  }
0x1b: {  	s9 =	sadd.s32 $0xFFFFFEF7, lr;
	s5 =	simm.s32 $0xFFFFFFFF;
	p2 =	slt.u32 s8, $0xFFFFF086  }
0x1c: {  	p1 =	slt.u32 s9, $0xF7A;
	s5 =	simm.s32 @!p2 $0x0  }
0x1d: {  	s5 =	simm.s32 @p1 $0x1;
	p0 =	seq.s32 s7, s2  }
0x1e: {  	s7 =	smul.u32 @!p0 $0xF7A, s2;
	p2 =	seq.s32 @!p0 s5, $0x0  }
0x1f: {  	s9 =	smul.u32 $0xF7A, s1;
	s8 =	simm.s32 @!p0 $0x1BF5;
	p2 =	por !p2, p0  }
0x20: {  	[sflag:s8] =	ssyncset.s32 @!p0 $0xFFFFF086;
	s6 =	sadd.s32 @!p0 s3, s7;
	s7 =	simm.s32 @!p0 $0x108  }
0x21: {  	s3 =	sadd.s32 s3, s9;
	s6 =	sadd.s32 @!p0 $0x88, s6;
	s7 =	simm.s32 @p2 $0x1082  }
0x22: {  	[simem:s7], [sflag:s8] =	dma.local @!p0 [hbm:s6], $0xF7A  }
0x23: {  	s9 =	sor.u32 $0xD0000000, s2;
	s6 =	simm.s32 $0x108;
	_ =	swait.ge @!p0 [sflag:s8], $0x0  }
0x24: {  	s3 =	sadd.s32 $0x88, s3;
	s6 =	simm.s32 @!p1 $0x1082;
	[sflag:s4] =	ssyncset.s32 $0xFFFFF086  }
0x25: {  	[simem:s6], [sflag:s4] =	dma.local [hbm:s3], $0xF7A  }
0x26: {  	[smem:$0x3FA0] =	sst s1;
	(tag) =	ssettag s2;
	_ =	strace s9  }
0x27: {  	s1 =	sld [smem:$0x3FB0]  }
0x28: {  	s2 =	sld [smem:$0x3FB1]  }
0x29: {  	s4 =	sld [smem:$0x3FB3]  }
0x2a: {  	p0 =	seq.s32 s5, $0x0;
	s5 =	sld [smem:$0x3FB4]  }
0x2b: {  	s6 =	sld [smem:$0x3FB5]  }
0x2c: {  	s7 =	sld [smem:$0x3FB6]  }
0x2d: {  	s3 =	simm.s32 $0x108;
	s8 =	sld [smem:$0x3FB7]  }
0x2e: {  	s3 =	simm.s32 @!p0 $0x1082;
	s9 =	sld [smem:$0x3FB8]  }
0x2f: {  	lr =	sadd.s32 s0, s3;
	s0 =	sld [smem:$0x3FAF]  }
0x30: {  	s3 =	sld [smem:$0x3FB2]  }
0x31: {  	[smem:$0x3FBB] =	sst s10  }
0x32: {  	s10 =	sld [smem:$0x3FB9];
	_ =	sdelay $0x3  }
0x33: {  	p0 =	seq.s32 s10, $0x1;
	s10 =	sld [smem:$0x3FBB];
	_ =	sdelay $0x3  }
0x34: {  	[smem:$0x3FBB] =	sst s10  }
0x35: {  	s10 =	sld [smem:$0x3FBA];
	_ =	sdelay $0x3  }
0x36: {  	p1 =	seq.s32 s10, $0x1;
	s10 =	sld [smem:$0x3FBB];
	_ =	sdelay $0x3  }
0x37: {  	[smem:$0x3FBB] =	sst s10  }
0x38: {  	s10 =	sld [smem:$0x3FBC]  }
0x39: {  	_ = 	snop;
	(pc) =	sbr.ind lr, $3  }
0x3a: {  	_ = 	snop  }
0x3b: {  	_ = 	snop  }
0x3c: {  	p2 =	seq.s32 s10, $0x1;
	s10 =	sld [smem:$0x3FBB]  }
0x3d: {  	_ =	shalt  }
0x3e: {  	_ =	shalt  }
0x3f: {  	_ =	shalt  }
0x40: {  	_ =	shalt  }
0x41: {  	_ =	shalt  }
0x42: {  	_ =	shalt  }
0x43: {  	_ =	shalt  }
0x44: {  	_ =	shalt  }
0x45: {  	_ =	shalt  }
0x46: {  	_ =	shalt  }
0x47: {  	_ =	shalt  }
0x48: {  	_ =	shalt  }
0x49: {  	_ =	shalt  }
0x4a: {  	_ =	shalt  }
0x4b: {  	_ =	shalt  }
0x4c: {  	_ =	shalt  }
0x4d: {  	_ =	shalt  }
0x4e: {  	_ =	shalt  }
0x4f: {  	_ =	shalt  }
0x50: {  	_ =	shalt  }
0x51: {  	_ =	shalt  }
0x52: {  	_ =	shalt  }
0x53: {  	_ =	shalt  }
0x54: {  	_ =	shalt  }
0x55: {  	_ =	shalt  }
0x56: {  	_ =	shalt  }
0x57: {  	_ =	shalt  }
0x58: {  	_ =	shalt  }
0x59: {  	_ =	shalt  }
0x5a: {  	_ =	shalt  }
0x5b: {  	_ =	shalt  }
0x5c: {  	_ =	shalt  }
0x5d: {  	_ =	shalt  }
0x5e: {  	_ =	shalt  }
0x5f: {  	_ =	shalt  }
0x60: {  	_ =	shalt  }
0x61: {  	_ =	shalt  }
0x62: {  	_ =	shalt  }
0x63: {  	_ =	shalt  }
0x64: {  	_ =	shalt  }
0x65: {  	_ =	shalt  }
0x66: {  	_ =	shalt  }
0x67: {  	_ =	shalt  }
0x68: {  	_ =	shalt  }
0x69: {  	_ =	shalt  }
0x6a: {  	_ =	shalt  }
0x6b: {  	_ =	shalt  }
0x6c: {  	_ =	shalt  }
0x6d: {  	_ =	shalt  }
0x6e: {  	_ =	shalt  }
0x6f: {  	_ =	shalt  }
0x70: {  	_ =	shalt  }
0x71: {  	_ =	shalt  }
0x72: {  	_ =	shalt  }
0x73: {  	_ =	shalt  }
0x74: {  	_ =	shalt  }
0x75: {  	_ =	shalt  }
0x76: {  	_ =	shalt  }
0x77: {  	_ =	shalt  }
0x78: {  	_ =	shalt  }
0x79: {  	_ =	shalt  }
0x7a: {  	_ =	shalt  }
0x7b: {  	_ =	shalt  }
0x7c: {  	_ =	shalt  }
0x7d: {  	_ =	shalt  }
0x7e: {  	_ =	shalt  }
0x7f: {  	_ =	shalt  }
0x80: {  	_ =	shalt  }
0x81: {  	_ =	shalt  }
0x82: {  	_ =	shalt  }
0x83: {  	_ =	shalt  }
0x84: {  	_ =	shalt  }
0x85: {  	_ =	shalt  }
0x86: {  	_ =	shalt  }
0x87: {  	_ =	shalt  }
.Lfunc_end0:
.L_simem_size_0:
called_computation_lowered:
.L_overlay_start_0:
0x88: {  	s2 =	sld [smem:$0x3FD9]  }
0x89: {  	s3 =	sld [smem:$0x3FFE];
	_ =	sdelay $0x1  }
0x8a: {  	s1 =	srdreg.scid  }
0x8b: {  	s0 =	sand.u32 $0x1, s1  }
0x8c: {  	s17 =	sshll.u32 s0, $0xA;
	s2 =	sadd.s32 s3, s2  }
0x8d: {  	s2 =	sadd.s32 s2, s17  }
0x8e: {  	[smem:$0x3FC7] =	sst s2  }
0x8f: {  	_ = 	snop  }
0x90: {  	s2 =	sld [smem:$0x3FD0];
	(tm) =	ssettm $0x1  }
0x91: {  	s18 =	sld [smem:$0x3FFB];
	_ =	sdelay $0x3  }
0x92: {  	_ =	strace s18  }
0x93: {  	s3 =	sld [smem:$0x3FFC];
	_ =	sdelay $0x3  }
0x94: {  	_ =	strace s3  }
0x95: {  	s3 =	sld [smem:$0x3FFD];
	_ =	sdelay $0x3  }
0x96: {  	_ =	strace s3  }
0x97: {  	_ =	strace $0x8FFFFFFF  }
0x98: {  	s19 =	sld [smem:$0x3FDB];
	_ =	sdelay $0x1  }
0x99: {  	s4 =	simm.s32 $_scs_section_size  }
0x9a: {  	s5 =	simm.s32 $_size__tile_overlayer_lowered;
	s6 =	simm.s32 $_tile_overlayer_lowered  }
0x9b: {  	s22 =	simm.s32 $0x1BFF;
	s21 =	sshll.u32 s6, $0x1;
	s3 =	sadd.s32 s4, s19  }
0x9c: {  	s7 =	simm.s32 $0x0;
	s20 =	sshll.u32 s5, $0x1;
	s5 =	sadd.s32 s21, s3  }
0x9d: {  	[timem:s7], [sflag:s22] =	dma.local [hbm:s5], s20  }
0x9e: {  	_ =	swait.ge [sflag:s22], s20  }
0x9f: {  	s4 =	ssub.s32 $0x0, s20;
	[sflag:s22] =	ssyncset.done $0x0  }
0xa0: {  	[sflag:s22] =	ssyncadd.s32 s4;
	_ =	sdelay $0x1  }
0xa1: {  	s23 =	simm.s32 $0x1B8B  }
0xa2: {  	_ =	swait.ge [sflag:s23], $0x1  }
0xa3: {  	[sflag:s23] =	ssyncset.done $0x0  }
0xa4: {  	s25 =	simm.s32 $0x1B8E;
	s24 =	sld [smem:$0x3FFE];
	[sflag:s23] =	ssyncadd.s32 $0xFFFFFFFF  }
0xa5: {  	s26 =	simm.s32 $execute0_lowered;
	[smem:$0x3FD2] =	sst s25  }
0xa6: {  	s5 =	sshll.u32 s26, $0x1;
	_ =	strace $0x80000046;
	[dreg:$0x1] =	wrdreg $0xFFFFFFFF  }
0xa7: {  	s28 =	simm.s32 $_size_execute0_lowered;
	s3 =	sadd.s32 s3, s5;
	[dreg:$0x0] =	wrdreg $0x0  }
0xa8: {  	s5 =	sshll.u32 s28, $0x1;
	[dreg:$0x2] =	wrdreg s3  }
0xa9: {  	[dreg:$0x3] =	wrdreg s5  }
0xaa: {  	[dreg:$0x4] =	wrdreg $0xC0  }
0xab: {  	_ =	task [dreg:s7], $0x5FFFF  }
0xac: {  	[dreg:$0x1] =	wrdreg $0xFFFFFFFF  }
0xad: {  	[dreg:$0x0] =	wrdreg $0x60  }
0xae: {  	[dreg:$0x2] =	wrdreg s24  }
0xaf: {  	[dreg:$0x3] =	wrdreg s2  }
0xb0: {  	[dreg:$0x4] =	wrdreg $0x9  }
0xb1: {  	_ =	task.clear_ibuf [dreg:s7], $0x5FFFF;
	_ =	strace $0x90000046  }
0xb2: {  	s29 =	simm.s32 $0x9;
	_ =	strace $0x80000048  }
0xb3: {  	_ =	swait.ge [sflag:s29], $0x1  }
0xb4: {  	[sflag:s29] =	ssyncadd.s32 $0xFFFFFFFF  }
0xb5: {  	_ =	strace $0x90000048  }
0xb6: {  	_ =	sfence  }
0xb7: {  	s30 =	sld [smem:$0x0];
	_ =	sdelay $0x2  }
0xb8: {  	s31 =	sshll.u32 s1, $0xD;
	s1 =	sshrl.u32 s1, $0x2  }
0xb9: {  	s3 =	sand.u32 $0x4000, s31;
	s1 =	sadd.s32 s1, s30  }
0xba: {  	s0 =	sor.u32 s3, s0;
	s1 =	sshll.u32 s1, $0x11  }
0xbb: {  	s0 =	sor.u32 s1, s0  }
0xbc: {  	s0 =	sadd.s32 $0x8F2B, s0  }
0xbd: {  	[sflag:s0] =	ssyncadd.remote.s32 $0x1  }
0xbe: {  	_ =	sfence.sel $0xFFFF  }
0xbf: {  	[dreg:$0x0] =	wrdreg $0xFFFFFFFF;
	(pc) =	sbr.abs _section_cstart, $3  }
0xc0: {  	[dreg:$0x1] =	wrdreg $0xFFFFFFFF  }
0xc1: {  	_ =	task.clear_ibuf [dreg:s7], $0x2FFFF;
	_ =	strace $0x9FFFFFFF  }
0xc2: {  	(tm) =	ssettm $0x7FFFFFFF  }
0xc3: {  	_ =	shalt  }
tec
execute0_lowered:
.L_overlay_start_1:
0x0: {  	(tag) =	ssettag $0x1  }
0x1: {  	s1 =	srdreg.scid;
	s3 =	rddreg [dreg:$0x0]  }
0x2: {  	s0 =	stileid.u32;
	s7 =	rddreg [dreg:$0x1];
	s2 =	simm.s32 $0x0  }
0x3: {  	s11 =	simm.s32 $0x13500;
	s12 =	simm.s32 $0x3;
	s6 =	smul.u32 $0x68, s0  }
0x4: {  	s13 =	simm.s32 $0x1;
	s5 =	sand.u32 $0x1, s1;
	s30 =	smul.u32 $0x68000, s0  }
0x5: {  	s14 =	simm.s32 $0x2;
	s28 =	sshll.u32 s0, $0x1;
	s8 =	smul.u32 $0x34, s5  }
0x6: {  	v0 =	vlaneseq.u32;
	s15 =	simm.s32 $0x0;
	s1 =	sor.u32 s5, s28;
	s31 =	smul.u32 $0x34000, s5  }
0x7: {  	[smem:$0x7FF] =	sst s2;
	v0 =	vmul.u32 $0x80, v0;
	s9 =	ssub.s32 $0x2, s5;
	s4 =	smul.u32 $0x680, s1  }
0x8: {  	v1 =	vimm.s32 $0x1;
	v17 =	vimm.s32 $0x0;
	s1 =	rddreg [dreg:$0x2];
	_ =	strace $0x80000047;
	s10 =	sshrl.u32 s9, $0x1  }
.Ltmp0:
0x9: {  	v2 =	vor.u32 $0x800, v0;
	v3 =	vor.u32 $0x1000, v0;
	v4 =	vor.u32 $0x1800, v0;
	s6 =	sadd.s32 s8, s6;
	s29 =	ssub.s32 s9, s10;
	(pc) =	sbr.rel .LBB2_1-.Ltmp0, $4  }
0xa: {  	v5 =	vor.u32 $0x2000, v0;
	v6 =	vor.u32 $0x2800, v0;
	v7 =	vor.u32 $0x3000, v0;
	s8 =	simm.s32 $0x3500;
	s9 =	simm.s32 $0x4;
	s10 =	simm.s32 $0xB500  }
0xb: {  	v8 =	vor.u32 $0x3800, v0;
	v9 =	vor.u32 $0x4000, v0;
	v10 =	vor.u32 $0x4800, v0;
	s4 =	sadd.s32 s4, s3;
	s3 =	sadd.s32 $0xD400, s3;
	s6 =	sshll.u32 s6, $0xC  }
0xc: {  	v11 =	vor.u32 $0x5000, v0;
	v12 =	vor.u32 $0x5800, v0;
	v13 =	vor.u32 $0x6000, v0;
	s5 =	smax.u32 s29, $0x1;
	s6 =	sadd.s32 s6, s7;
	s7 =	sadd.s32 s30, s7  }
0xd: {  	v14 =	vor.u32 $0x6800, v0;
	v15 =	vor.u32 $0x7000, v0;
	v16 =	vor.u32 $0x7800, v0;
	s4 =	sadd.s32 $0x400, s4;
	s6 =	sadd.s32 $0x1000, s6;
	s7 =	sadd.s32 s31, s7  }
.LBB2_6:
0xe: {  	_ =	swait.ge [sflag:s13], $0x8000  }
0xf: {  	[sflag:s13] =	ssyncset.done $0x0  }
0x10: {  	s15 =	sadd.s32 $0x1, s15;
	[sflag:s13] =	ssyncadd.s32 $0xFFFF8000  }
0x11: {  	p0 =	sne.s32 s15, s5;
	_ =	swait.ge [sflag:s14], $0x8000  }
.Ltmp1:
0x12: {  	[sflag:s14] =	ssyncset.done $0x0;
	(pc) =	sbr.rel @!p0 .LBB2_7-.Ltmp1, $4  }
0x13: {  	[sflag:s14] =	ssyncadd.s32 $0xFFFF8000  }
0x14: {  	_ =	swait.ge [sflag:s12], $0x8000  }
0x15: {  	[sflag:s12] =	ssyncset.done $0x0  }
0x16: {  	[sflag:s12] =	ssyncadd.s32 $0xFFFF8000  }
.LBB2_1:
0x17: {  	[tilespmem:s8], [sflag:$0x4] =	stream.linear.gather [hbm4b:s3+s2], $0x8000, $0x38;
	[tilespmem:$0x1B500] =	vst v63  }
0x18: {  	_ =	swait.ge [sflag:s9], $0x8000  }
0x19: {  	[sflag:s9] =	ssyncset.done $0x0  }
0x1a: {  	[sflag:s9] =	ssyncadd.s32 $0xFFFF8000  }
0x1b: {  	[tilespmem:s10], [sflag:$0x4] =	stream.linear.gather [hbm4b:s3+s2], $0x8000, $0x38;
	[tilespmem:$0x1B500] =	vst v63  }
0x1c: {  	_ =	swait.ge [sflag:s9], $0x8000  }
0x1d: {  	[sflag:s9] =	ssyncset.done $0x0  }
0x1e: {  	[sflag:s9] =	ssyncadd.s32 $0xFFFF8000  }
0x1f: {  	[tilespmem:s11], [sflag:$0x4] =	stream.linear.gather [hbm4b:s3+s2], $0x8000, $0x38;
	[tilespmem:$0x1B500] =	vst v63  }
0x20: {  	_ =	swait.ge [sflag:s9], $0x8000  }
0x21: {  	[sflag:s9] =	ssyncset.done $0x0  }
.Ltmp2:
0x22: {  	[sflag:s9] =	ssyncadd.s32 $0xFFFF8000;
	(pc) =	sbr.rel .LBB2_2-.Ltmp2, $4  }
0x23: {  	[tilespmem:s2], [sflag:$0x4] =	stream.linear.gather [hbm4b:s4+s2], $0x3400, $0x38;
	[tilespmem:$0x1B500] =	vst v63  }
0x24: {  	_ =	swait.ge [sflag:s9], $0x3400  }
0x25: {  	s16 =	smov.u32 s7;
	[sflag:s9] =	ssyncset.done $0x0  }
0x26: {  	s17 =	smov.u32 s6;
	s18 =	simm.s32 $0x0;
	[sflag:s9] =	ssyncadd.s32 $0xFFFFCC00  }
.LBB2_5:
0x27: {  	s20 =	sshra.s32 s18, $0x2  }
0x28: {  	v18 =	vld [tilespmem:s20+$0x100];
	_ =	sdelay $0x4  }
0x29: {  	v18 =	vadd.s32 v0, v18;
	_ =	sdelay $0x4  }
0x2a: {  	[tilespmem:v18+s10+$0x0] =	vst.idx.msk $0xffff, v1  }
0x2b: {  	v18 =	vld [tilespmem:s20+$0x110];
	_ =	sdelay $0x4  }
0x2c: {  	v18 =	vadd.s32 v2, v18;
	_ =	sdelay $0x4  }
0x2d: {  	[tilespmem:v18+s10+$0x0] =	vst.idx.msk $0xffff, v1  }
0x2e: {  	v18 =	vld [tilespmem:s20+$0x120];
	_ =	sdelay $0x4  }
0x2f: {  	v18 =	vadd.s32 v3, v18;
	_ =	sdelay $0x4  }
0x30: {  	[tilespmem:v18+s10+$0x0] =	vst.idx.msk $0xffff, v1  }
0x31: {  	v18 =	vld [tilespmem:s20+$0x130];
	_ =	sdelay $0x4  }
0x32: {  	v18 =	vadd.s32 v4, v18;
	_ =	sdelay $0x4  }
0x33: {  	[tilespmem:v18+s10+$0x0] =	vst.idx.msk $0xffff, v1  }
0x34: {  	v18 =	vld [tilespmem:s20+$0x140];
	_ =	sdelay $0x4  }
0x35: {  	v18 =	vadd.s32 v5, v18;
	_ =	sdelay $0x4  }
0x36: {  	[tilespmem:v18+s10+$0x0] =	vst.idx.msk $0xffff, v1  }
0x37: {  	v18 =	vld [tilespmem:s20+$0x150];
	_ =	sdelay $0x4  }
0x38: {  	v18 =	vadd.s32 v6, v18;
	_ =	sdelay $0x4  }
0x39: {  	[tilespmem:v18+s10+$0x0] =	vst.idx.msk $0xffff, v1  }
0x3a: {  	v18 =	vld [tilespmem:s20+$0x160];
	_ =	sdelay $0x4  }
0x3b: {  	v18 =	vadd.s32 v7, v18;
	_ =	sdelay $0x4  }
0x3c: {  	[tilespmem:v18+s10+$0x0] =	vst.idx.msk $0xffff, v1  }
0x3d: {  	v18 =	vld [tilespmem:s20+$0x170];
	_ =	sdelay $0x4  }
0x3e: {  	v18 =	vadd.s32 v8, v18;
	_ =	sdelay $0x4  }
0x3f: {  	[tilespmem:v18+s10+$0x0] =	vst.idx.msk $0xffff, v1  }
0x40: {  	v18 =	vld [tilespmem:s20+$0x180];
	_ =	sdelay $0x4  }
0x41: {  	v18 =	vadd.s32 v9, v18;
	_ =	sdelay $0x4  }
0x42: {  	[tilespmem:v18+s10+$0x0] =	vst.idx.msk $0xffff, v1  }
0x43: {  	v18 =	vld [tilespmem:s20+$0x190];
	_ =	sdelay $0x4  }
0x44: {  	v18 =	vadd.s32 v10, v18;
	_ =	sdelay $0x4  }
0x45: {  	[tilespmem:v18+s10+$0x0] =	vst.idx.msk $0xffff, v1  }
0x46: {  	v18 =	vld [tilespmem:s20+$0x1A0];
	_ =	sdelay $0x4  }
0x47: {  	v18 =	vadd.s32 v11, v18;
	_ =	sdelay $0x4  }
0x48: {  	[tilespmem:v18+s10+$0x0] =	vst.idx.msk $0xffff, v1  }
0x49: {  	v18 =	vld [tilespmem:s20+$0x1B0];
	_ =	sdelay $0x4  }
0x4a: {  	v18 =	vadd.s32 v12, v18;
	_ =	sdelay $0x4  }
0x4b: {  	[tilespmem:v18+s10+$0x0] =	vst.idx.msk $0xffff, v1  }
0x4c: {  	v18 =	vld [tilespmem:s20+$0x1C0];
	_ =	sdelay $0x4  }
0x4d: {  	v18 =	vadd.s32 v13, v18;
	_ =	sdelay $0x4  }
0x4e: {  	[tilespmem:v18+s10+$0x0] =	vst.idx.msk $0xffff, v1  }
0x4f: {  	v18 =	vld [tilespmem:s20+$0x1D0];
	_ =	sdelay $0x4  }
0x50: {  	v18 =	vadd.s32 v14, v18;
	_ =	sdelay $0x4  }
0x51: {  	[tilespmem:v18+s10+$0x0] =	vst.idx.msk $0xffff, v1  }
0x52: {  	v18 =	vld [tilespmem:s20+$0x1E0];
	_ =	sdelay $0x4  }
0x53: {  	v18 =	vadd.s32 v15, v18;
	_ =	sdelay $0x4  }
0x54: {  	[tilespmem:v18+s10+$0x0] =	vst.idx.msk $0xffff, v1  }
0x55: {  	v18 =	vld [tilespmem:s20+$0x1F0];
	_ =	sdelay $0x4  }
0x56: {  	v18 =	vadd.s32 v16, v18;
	_ =	sdelay $0x4  }
0x57: {  	[tilespmem:v18+s10+$0x0] =	vst.idx.msk $0xffff, v1  }
0x58: {  	[hbm4b:s17+s2] =	stream.linear.scatter [tilespmem:s10], [sflag:$0x2], $0x8000, $0x38;
	[tilespmem:$0x1B500] =	vst v63  }
0x59: {  	_ =	swait.ge @!p0 [sflag:s12], $0x8000  }
0x5a: {  	[sflag:s12] =	ssyncset.done @!p0 $0x0  }
0x5b: {  	[sflag:s12] =	ssyncadd.s32 @!p0 $0xFFFF8000  }
0x5c: {  	v18 =	vld @!p0 [tilespmem:s19+$0xFFFFFF00];
	_ =	sdelay $0x4  }
0x5d: {  	v18 =	vadd.s32 @!p0 v0, v18;
	_ =	sdelay $0x4  }
0x5e: {  	[tilespmem:v18+s11+$0x0] =	vst.idx.msk @!p0 $0xffff, v17  }
0x5f: {  	v18 =	vld @!p0 [tilespmem:s19+$0xFFFFFF10];
	_ =	sdelay $0x4  }
0x60: {  	v18 =	vadd.s32 @!p0 v2, v18;
	_ =	sdelay $0x4  }
0x61: {  	[tilespmem:v18+s11+$0x0] =	vst.idx.msk @!p0 $0xffff, v17  }
0x62: {  	v18 =	vld @!p0 [tilespmem:s19+$0xFFFFFF20];
	_ =	sdelay $0x4  }
0x63: {  	v18 =	vadd.s32 @!p0 v3, v18;
	_ =	sdelay $0x4  }
0x64: {  	[tilespmem:v18+s11+$0x0] =	vst.idx.msk @!p0 $0xffff, v17  }
0x65: {  	v18 =	vld @!p0 [tilespmem:s19+$0xFFFFFF30];
	_ =	sdelay $0x4  }
0x66: {  	v18 =	vadd.s32 @!p0 v4, v18;
	_ =	sdelay $0x4  }
0x67: {  	[tilespmem:v18+s11+$0x0] =	vst.idx.msk @!p0 $0xffff, v17  }
0x68: {  	v18 =	vld @!p0 [tilespmem:s19+$0xFFFFFF40];
	_ =	sdelay $0x4  }
0x69: {  	v18 =	vadd.s32 @!p0 v5, v18;
	_ =	sdelay $0x4  }
0x6a: {  	[tilespmem:v18+s11+$0x0] =	vst.idx.msk @!p0 $0xffff, v17  }
0x6b: {  	v18 =	vld @!p0 [tilespmem:s19+$0xFFFFFF50];
	_ =	sdelay $0x4  }
0x6c: {  	v18 =	vadd.s32 @!p0 v6, v18;
	_ =	sdelay $0x4  }
0x6d: {  	[tilespmem:v18+s11+$0x0] =	vst.idx.msk @!p0 $0xffff, v17  }
0x6e: {  	v18 =	vld @!p0 [tilespmem:s19+$0xFFFFFF60];
	_ =	sdelay $0x4  }
0x6f: {  	v18 =	vadd.s32 @!p0 v7, v18;
	_ =	sdelay $0x4  }
0x70: {  	[tilespmem:v18+s11+$0x0] =	vst.idx.msk @!p0 $0xffff, v17  }
0x71: {  	v18 =	vld @!p0 [tilespmem:s19+$0xFFFFFF70];
	_ =	sdelay $0x4  }
0x72: {  	v18 =	vadd.s32 @!p0 v8, v18;
	_ =	sdelay $0x4  }
0x73: {  	[tilespmem:v18+s11+$0x0] =	vst.idx.msk @!p0 $0xffff, v17  }
0x74: {  	v18 =	vld @!p0 [tilespmem:s19+$0xFFFFFF80];
	_ =	sdelay $0x4  }
0x75: {  	v18 =	vadd.s32 @!p0 v9, v18;
	_ =	sdelay $0x4  }
0x76: {  	[tilespmem:v18+s11+$0x0] =	vst.idx.msk @!p0 $0xffff, v17  }
0x77: {  	v18 =	vld @!p0 [tilespmem:s19+$0xFFFFFF90];
	_ =	sdelay $0x4  }
0x78: {  	v18 =	vadd.s32 @!p0 v10, v18;
	_ =	sdelay $0x4  }
0x79: {  	[tilespmem:v18+s11+$0x0] =	vst.idx.msk @!p0 $0xffff, v17  }
0x7a: {  	v18 =	vld @!p0 [tilespmem:s19+$0xFFFFFFA0];
	_ =	sdelay $0x4  }
0x7b: {  	v18 =	vadd.s32 @!p0 v11, v18;
	_ =	sdelay $0x4  }
0x7c: {  	[tilespmem:v18+s11+$0x0] =	vst.idx.msk @!p0 $0xffff, v17  }
0x7d: {  	v18 =	vld @!p0 [tilespmem:s19+$0xFFFFFFB0];
	_ =	sdelay $0x4  }
0x7e: {  	v18 =	vadd.s32 @!p0 v12, v18;
	_ =	sdelay $0x4  }
0x7f: {  	[tilespmem:v18+s11+$0x0] =	vst.idx.msk @!p0 $0xffff, v17  }
0x80: {  	v18 =	vld @!p0 [tilespmem:s19+$0xFFFFFFC0];
	_ =	sdelay $0x4  }
0x81: {  	v18 =	vadd.s32 @!p0 v13, v18;
	_ =	sdelay $0x4  }
0x82: {  	[tilespmem:v18+s11+$0x0] =	vst.idx.msk @!p0 $0xffff, v17  }
0x83: {  	v18 =	vld @!p0 [tilespmem:s19+$0xFFFFFFD0];
	_ =	sdelay $0x4  }
0x84: {  	v18 =	vadd.s32 @!p0 v14, v18;
	_ =	sdelay $0x4  }
0x85: {  	[tilespmem:v18+s11+$0x0] =	vst.idx.msk @!p0 $0xffff, v17  }
0x86: {  	v18 =	vld @!p0 [tilespmem:s19+$0xFFFFFFE0];
	_ =	sdelay $0x4  }
0x87: {  	v18 =	vadd.s32 @!p0 v15, v18;
	_ =	sdelay $0x4  }
0x88: {  	[tilespmem:v18+s11+$0x0] =	vst.idx.msk @!p0 $0xffff, v17  }
0x89: {  	v18 =	vld @!p0 [tilespmem:s19+$0xFFFFFFF0];
	_ =	sdelay $0x4  }
0x8a: {  	v18 =	vadd.s32 @!p0 v16, v18;
	_ =	sdelay $0x4  }
0x8b: {  	[tilespmem:v18+s11+$0x0] =	vst.idx.msk @!p0 $0xffff, v17  }
0x8c: {  	v18 =	vld [tilespmem:s20+$0x200];
	_ =	sdelay $0x4  }
0x8d: {  	v18 =	vadd.s32 v0, v18;
	_ =	sdelay $0x4  }
0x8e: {  	[tilespmem:v18+s11+$0x0] =	vst.idx.msk $0xffff, v1  }
0x8f: {  	v18 =	vld [tilespmem:s20+$0x210];
	_ =	sdelay $0x4  }
0x90: {  	v18 =	vadd.s32 v2, v18;
	_ =	sdelay $0x4  }
0x91: {  	[tilespmem:v18+s11+$0x0] =	vst.idx.msk $0xffff, v1  }
0x92: {  	v18 =	vld [tilespmem:s20+$0x220];
	_ =	sdelay $0x4  }
0x93: {  	v18 =	vadd.s32 v3, v18;
	_ =	sdelay $0x4  }
0x94: {  	[tilespmem:v18+s11+$0x0] =	vst.idx.msk $0xffff, v1  }
0x95: {  	v18 =	vld [tilespmem:s20+$0x230];
	_ =	sdelay $0x4  }
0x96: {  	v18 =	vadd.s32 v4, v18;
	_ =	sdelay $0x4  }
0x97: {  	[tilespmem:v18+s11+$0x0] =	vst.idx.msk $0xffff, v1  }
0x98: {  	v18 =	vld [tilespmem:s20+$0x240];
	_ =	sdelay $0x4  }
0x99: {  	v18 =	vadd.s32 v5, v18;
	_ =	sdelay $0x4  }
0x9a: {  	[tilespmem:v18+s11+$0x0] =	vst.idx.msk $0xffff, v1  }
0x9b: {  	v18 =	vld [tilespmem:s20+$0x250];
	_ =	sdelay $0x4  }
0x9c: {  	v18 =	vadd.s32 v6, v18;
	_ =	sdelay $0x4  }
0x9d: {  	[tilespmem:v18+s11+$0x0] =	vst.idx.msk $0xffff, v1  }
0x9e: {  	v18 =	vld [tilespmem:s20+$0x260];
	_ =	sdelay $0x4  }
0x9f: {  	v18 =	vadd.s32 v7, v18;
	_ =	sdelay $0x4  }
0xa0: {  	[tilespmem:v18+s11+$0x0] =	vst.idx.msk $0xffff, v1  }
0xa1: {  	v18 =	vld [tilespmem:s20+$0x270];
	_ =	sdelay $0x4  }
0xa2: {  	v18 =	vadd.s32 v8, v18;
	_ =	sdelay $0x4  }
0xa3: {  	[tilespmem:v18+s11+$0x0] =	vst.idx.msk $0xffff, v1  }
0xa4: {  	v18 =	vld [tilespmem:s20+$0x280];
	_ =	sdelay $0x4  }
0xa5: {  	v18 =	vadd.s32 v9, v18;
	_ =	sdelay $0x4  }
0xa6: {  	[tilespmem:v18+s11+$0x0] =	vst.idx.msk $0xffff, v1  }
0xa7: {  	v18 =	vld [tilespmem:s20+$0x290];
	_ =	sdelay $0x4  }
0xa8: {  	v18 =	vadd.s32 v10, v18;
	_ =	sdelay $0x4  }
0xa9: {  	[tilespmem:v18+s11+$0x0] =	vst.idx.msk $0xffff, v1  }
0xaa: {  	v18 =	vld [tilespmem:s20+$0x2A0];
	_ =	sdelay $0x4  }
0xab: {  	v18 =	vadd.s32 v11, v18;
	_ =	sdelay $0x4  }
0xac: {  	[tilespmem:v18+s11+$0x0] =	vst.idx.msk $0xffff, v1  }
0xad: {  	v18 =	vld [tilespmem:s20+$0x2B0];
	_ =	sdelay $0x4  }
0xae: {  	v18 =	vadd.s32 v12, v18;
	_ =	sdelay $0x4  }
0xaf: {  	[tilespmem:v18+s11+$0x0] =	vst.idx.msk $0xffff, v1  }
0xb0: {  	v18 =	vld [tilespmem:s20+$0x2C0];
	_ =	sdelay $0x4  }
0xb1: {  	v18 =	vadd.s32 v13, v18;
	_ =	sdelay $0x4  }
0xb2: {  	[tilespmem:v18+s11+$0x0] =	vst.idx.msk $0xffff, v1  }
0xb3: {  	v18 =	vld [tilespmem:s20+$0x2D0];
	_ =	sdelay $0x4  }
0xb4: {  	v18 =	vadd.s32 v14, v18;
	_ =	sdelay $0x4  }
0xb5: {  	[tilespmem:v18+s11+$0x0] =	vst.idx.msk $0xffff, v1  }
0xb6: {  	v18 =	vld [tilespmem:s20+$0x2E0];
	_ =	sdelay $0x4  }
0xb7: {  	v18 =	vadd.s32 v15, v18;
	_ =	sdelay $0x4  }
0xb8: {  	[tilespmem:v18+s11+$0x0] =	vst.idx.msk $0xffff, v1  }
0xb9: {  	v18 =	vld [tilespmem:s20+$0x2F0];
	_ =	sdelay $0x4  }
0xba: {  	v18 =	vadd.s32 v16, v18;
	_ =	sdelay $0x3  }
0xbb: {  	s31 =	sadd.s32 $0x1000, s17  }
0xbc: {  	s18 =	sadd.s32 $0xC00, s18;
	s16 =	sadd.s32 $0x3000, s16;
	s17 =	sadd.s32 $0x3000, s17;
	[tilespmem:v18+s11+$0x0] =	vst.idx.msk $0xffff, v1  }
0xbd: {  	[hbm4b:s31+s2] =	stream.linear.scatter [tilespmem:s11], [sflag:$0x3], $0x8000, $0x38;
	[tilespmem:$0x1B500] =	vst v63  }
.LBB2_2:
0xbe: {  	p0 =	seq.s32 s18, $0x0  }
0xbf: {  	_ =	swait.ge @!p0 [sflag:s13], $0x8000  }
0xc0: {  	s19 =	simm.s32 @p0 $0x0;
	[sflag:s13] =	ssyncset.done @!p0 $0x0  }
0xc1: {  	s19 =	sshra.s32 @!p0 s18, $0x2;
	[sflag:s13] =	ssyncadd.s32 @!p0 $0xFFFF8000  }
0xc2: {  	v18 =	vld @!p0 [tilespmem:s19+$0xFFFFFD00];
	_ =	sdelay $0x4  }
0xc3: {  	v18 =	vadd.s32 @!p0 v0, v18;
	_ =	sdelay $0x4  }
0xc4: {  	[tilespmem:v18+s8+$0x0] =	vst.idx.msk @!p0 $0xffff, v17  }
0xc5: {  	v18 =	vld @!p0 [tilespmem:s19+$0xFFFFFD10];
	_ =	sdelay $0x4  }
0xc6: {  	v18 =	vadd.s32 @!p0 v2, v18;
	_ =	sdelay $0x4  }
0xc7: {  	[tilespmem:v18+s8+$0x0] =	vst.idx.msk @!p0 $0xffff, v17  }
0xc8: {  	v18 =	vld @!p0 [tilespmem:s19+$0xFFFFFD20];
	_ =	sdelay $0x4  }
0xc9: {  	v18 =	vadd.s32 @!p0 v3, v18;
	_ =	sdelay $0x4  }
0xca: {  	[tilespmem:v18+s8+$0x0] =	vst.idx.msk @!p0 $0xffff, v17  }
0xcb: {  	v18 =	vld @!p0 [tilespmem:s19+$0xFFFFFD30];
	_ =	sdelay $0x4  }
0xcc: {  	v18 =	vadd.s32 @!p0 v4, v18;
	_ =	sdelay $0x4  }
0xcd: {  	[tilespmem:v18+s8+$0x0] =	vst.idx.msk @!p0 $0xffff, v17  }
0xce: {  	v18 =	vld @!p0 [tilespmem:s19+$0xFFFFFD40];
	_ =	sdelay $0x4  }
0xcf: {  	v18 =	vadd.s32 @!p0 v5, v18;
	_ =	sdelay $0x4  }
0xd0: {  	[tilespmem:v18+s8+$0x0] =	vst.idx.msk @!p0 $0xffff, v17  }
0xd1: {  	v18 =	vld @!p0 [tilespmem:s19+$0xFFFFFD50];
	_ =	sdelay $0x4  }
0xd2: {  	v18 =	vadd.s32 @!p0 v6, v18;
	_ =	sdelay $0x4  }
0xd3: {  	[tilespmem:v18+s8+$0x0] =	vst.idx.msk @!p0 $0xffff, v17  }
0xd4: {  	v18 =	vld @!p0 [tilespmem:s19+$0xFFFFFD60];
	_ =	sdelay $0x4  }
0xd5: {  	v18 =	vadd.s32 @!p0 v7, v18;
	_ =	sdelay $0x4  }
0xd6: {  	[tilespmem:v18+s8+$0x0] =	vst.idx.msk @!p0 $0xffff, v17  }
0xd7: {  	v18 =	vld @!p0 [tilespmem:s19+$0xFFFFFD70];
	_ =	sdelay $0x4  }
0xd8: {  	v18 =	vadd.s32 @!p0 v8, v18;
	_ =	sdelay $0x4  }
0xd9: {  	[tilespmem:v18+s8+$0x0] =	vst.idx.msk @!p0 $0xffff, v17  }
0xda: {  	v18 =	vld @!p0 [tilespmem:s19+$0xFFFFFD80];
	_ =	sdelay $0x4  }
0xdb: {  	v18 =	vadd.s32 @!p0 v9, v18;
	_ =	sdelay $0x4  }
0xdc: {  	[tilespmem:v18+s8+$0x0] =	vst.idx.msk @!p0 $0xffff, v17  }
0xdd: {  	v18 =	vld @!p0 [tilespmem:s19+$0xFFFFFD90];
	_ =	sdelay $0x4  }
0xde: {  	v18 =	vadd.s32 @!p0 v10, v18;
	_ =	sdelay $0x4  }
0xdf: {  	[tilespmem:v18+s8+$0x0] =	vst.idx.msk @!p0 $0xffff, v17  }
0xe0: {  	v18 =	vld @!p0 [tilespmem:s19+$0xFFFFFDA0];
	_ =	sdelay $0x4  }
0xe1: {  	v18 =	vadd.s32 @!p0 v11, v18;
	_ =	sdelay $0x4  }
0xe2: {  	[tilespmem:v18+s8+$0x0] =	vst.idx.msk @!p0 $0xffff, v17  }
0xe3: {  	v18 =	vld @!p0 [tilespmem:s19+$0xFFFFFDB0];
	_ =	sdelay $0x4  }
0xe4: {  	v18 =	vadd.s32 @!p0 v12, v18;
	_ =	sdelay $0x4  }
0xe5: {  	[tilespmem:v18+s8+$0x0] =	vst.idx.msk @!p0 $0xffff, v17  }
0xe6: {  	v18 =	vld @!p0 [tilespmem:s19+$0xFFFFFDC0];
	_ =	sdelay $0x4  }
0xe7: {  	v18 =	vadd.s32 @!p0 v13, v18;
	_ =	sdelay $0x4  }
0xe8: {  	[tilespmem:v18+s8+$0x0] =	vst.idx.msk @!p0 $0xffff, v17  }
0xe9: {  	v18 =	vld @!p0 [tilespmem:s19+$0xFFFFFDD0];
	_ =	sdelay $0x4  }
0xea: {  	v18 =	vadd.s32 @!p0 v14, v18;
	_ =	sdelay $0x4  }
0xeb: {  	[tilespmem:v18+s8+$0x0] =	vst.idx.msk @!p0 $0xffff, v17  }
0xec: {  	v18 =	vld @!p0 [tilespmem:s19+$0xFFFFFDE0];
	_ =	sdelay $0x4  }
0xed: {  	v18 =	vadd.s32 @!p0 v15, v18;
	_ =	sdelay $0x4  }
0xee: {  	[tilespmem:v18+s8+$0x0] =	vst.idx.msk @!p0 $0xffff, v17  }
0xef: {  	v18 =	vld @!p0 [tilespmem:s19+$0xFFFFFDF0];
	_ =	sdelay $0x4  }
0xf0: {  	v18 =	vadd.s32 @!p0 v16, v18;
	_ =	sdelay $0x3  }
0xf1: {  	s19 =	smov.u32 @!p0 s18  }
0xf2: {  	s19 =	sshra.s32 s19, $0x2;
	[tilespmem:v18+s8+$0x0] =	vst.idx.msk @!p0 $0xffff, v17  }
0xf3: {  	v18 =	vld [tilespmem:s19+$0x0];
	_ =	sdelay $0x4  }
0xf4: {  	v18 =	vadd.s32 v0, v18;
	_ =	sdelay $0x4  }
0xf5: {  	[tilespmem:v18+s8+$0x0] =	vst.idx.msk $0xffff, v1  }
0xf6: {  	v18 =	vld [tilespmem:s19+$0x10];
	_ =	sdelay $0x4  }
0xf7: {  	v18 =	vadd.s32 v2, v18;
	_ =	sdelay $0x4  }
0xf8: {  	[tilespmem:v18+s8+$0x0] =	vst.idx.msk $0xffff, v1  }
0xf9: {  	v18 =	vld [tilespmem:s19+$0x20];
	_ =	sdelay $0x4  }
0xfa: {  	v18 =	vadd.s32 v3, v18;
	_ =	sdelay $0x4  }
0xfb: {  	[tilespmem:v18+s8+$0x0] =	vst.idx.msk $0xffff, v1  }
0xfc: {  	v18 =	vld [tilespmem:s19+$0x30];
	_ =	sdelay $0x4  }
0xfd: {  	v18 =	vadd.s32 v4, v18;
	_ =	sdelay $0x4  }
0xfe: {  	[tilespmem:v18+s8+$0x0] =	vst.idx.msk $0xffff, v1  }
0xff: {  	v18 =	vld [tilespmem:s19+$0x40];
	_ =	sdelay $0x4  }
0x100: {  	v18 =	vadd.s32 v5, v18;
	_ =	sdelay $0x4  }
0x101: {  	[tilespmem:v18+s8+$0x0] =	vst.idx.msk $0xffff, v1  }
0x102: {  	v18 =	vld [tilespmem:s19+$0x50];
	_ =	sdelay $0x4  }
0x103: {  	v18 =	vadd.s32 v6, v18;
	_ =	sdelay $0x4  }
0x104: {  	[tilespmem:v18+s8+$0x0] =	vst.idx.msk $0xffff, v1  }
0x105: {  	v18 =	vld [tilespmem:s19+$0x60];
	_ =	sdelay $0x4  }
0x106: {  	v18 =	vadd.s32 v7, v18;
	_ =	sdelay $0x4  }
0x107: {  	[tilespmem:v18+s8+$0x0] =	vst.idx.msk $0xffff, v1  }
0x108: {  	v18 =	vld [tilespmem:s19+$0x70];
	_ =	sdelay $0x4  }
0x109: {  	v18 =	vadd.s32 v8, v18;
	_ =	sdelay $0x4  }
0x10a: {  	[tilespmem:v18+s8+$0x0] =	vst.idx.msk $0xffff, v1  }
0x10b: {  	v18 =	vld [tilespmem:s19+$0x80];
	_ =	sdelay $0x4  }
0x10c: {  	v18 =	vadd.s32 v9, v18;
	_ =	sdelay $0x4  }
0x10d: {  	[tilespmem:v18+s8+$0x0] =	vst.idx.msk $0xffff, v1  }
0x10e: {  	v18 =	vld [tilespmem:s19+$0x90];
	_ =	sdelay $0x4  }
0x10f: {  	v18 =	vadd.s32 v10, v18;
	_ =	sdelay $0x4  }
0x110: {  	[tilespmem:v18+s8+$0x0] =	vst.idx.msk $0xffff, v1  }
0x111: {  	v18 =	vld [tilespmem:s19+$0xA0];
	_ =	sdelay $0x4  }
0x112: {  	v18 =	vadd.s32 v11, v18;
	_ =	sdelay $0x4  }
0x113: {  	[tilespmem:v18+s8+$0x0] =	vst.idx.msk $0xffff, v1  }
0x114: {  	v18 =	vld [tilespmem:s19+$0xB0];
	_ =	sdelay $0x4  }
0x115: {  	v18 =	vadd.s32 v12, v18;
	_ =	sdelay $0x4  }
0x116: {  	[tilespmem:v18+s8+$0x0] =	vst.idx.msk $0xffff, v1  }
0x117: {  	v18 =	vld [tilespmem:s19+$0xC0];
	_ =	sdelay $0x4  }
0x118: {  	v18 =	vadd.s32 v13, v18;
	_ =	sdelay $0x4  }
0x119: {  	[tilespmem:v18+s8+$0x0] =	vst.idx.msk $0xffff, v1  }
0x11a: {  	v18 =	vld [tilespmem:s19+$0xD0];
	_ =	sdelay $0x4  }
0x11b: {  	v18 =	vadd.s32 v14, v18;
	_ =	sdelay $0x4  }
0x11c: {  	[tilespmem:v18+s8+$0x0] =	vst.idx.msk $0xffff, v1  }
0x11d: {  	v18 =	vld [tilespmem:s19+$0xE0];
	_ =	sdelay $0x4  }
0x11e: {  	v18 =	vadd.s32 v15, v18;
	_ =	sdelay $0x4  }
0x11f: {  	[tilespmem:v18+s8+$0x0] =	vst.idx.msk $0xffff, v1  }
0x120: {  	v18 =	vld [tilespmem:s19+$0xF0];
	_ =	sdelay $0x4  }
0x121: {  	v18 =	vadd.s32 v16, v18;
	_ =	sdelay $0x1  }
.Ltmp3:
0x122: {  	_ = 	snop;
	(pc) =	sbr.rel @p0 .LBB2_5-.Ltmp3, $3  }
0x123: {  	_ =	sdelay $0x1  }
0x124: {  	[tilespmem:v18+s8+$0x0] =	vst.idx.msk $0xffff, v1  }
0x125: {  	[hbm4b:s16+s2] =	stream.linear.scatter [tilespmem:s8], [sflag:$0x1], $0x8000, $0x38;
	[tilespmem:$0x1B500] =	vst v63  }
0x126: {  	p1 =	seq.s32 s18, $0xCC00  }
.Ltmp4:
0x127: {  	_ = 	snop;
	(pc) =	sbr.rel @p1 .LBB2_6-.Ltmp4, $1  }
0x128: {  	_ =	sdelay $0x3  }
0x129: {  	_ =	swait.ge [sflag:s14], $0x8000  }
0x12a: {  	[sflag:s14] =	ssyncset.done $0x0  }
0x12b: {  	[sflag:s14] =	ssyncadd.s32 $0xFFFF8000  }
0x12c: {  	v18 =	vld [tilespmem:s19+$0xFFFFFE00];
	_ =	sdelay $0x4  }
0x12d: {  	v18 =	vadd.s32 v0, v18;
	_ =	sdelay $0x4  }
0x12e: {  	[tilespmem:v18+s10+$0x0] =	vst.idx.msk $0xffff, v17  }
0x12f: {  	v18 =	vld [tilespmem:s19+$0xFFFFFE10];
	_ =	sdelay $0x4  }
0x130: {  	v18 =	vadd.s32 v2, v18;
	_ =	sdelay $0x4  }
0x131: {  	[tilespmem:v18+s10+$0x0] =	vst.idx.msk $0xffff, v17  }
0x132: {  	v18 =	vld [tilespmem:s19+$0xFFFFFE20];
	_ =	sdelay $0x4  }
0x133: {  	v18 =	vadd.s32 v3, v18;
	_ =	sdelay $0x4  }
0x134: {  	[tilespmem:v18+s10+$0x0] =	vst.idx.msk $0xffff, v17  }
0x135: {  	v18 =	vld [tilespmem:s19+$0xFFFFFE30];
	_ =	sdelay $0x4  }
0x136: {  	v18 =	vadd.s32 v4, v18;
	_ =	sdelay $0x4  }
0x137: {  	[tilespmem:v18+s10+$0x0] =	vst.idx.msk $0xffff, v17  }
0x138: {  	v18 =	vld [tilespmem:s19+$0xFFFFFE40];
	_ =	sdelay $0x4  }
0x139: {  	v18 =	vadd.s32 v5, v18;
	_ =	sdelay $0x4  }
0x13a: {  	[tilespmem:v18+s10+$0x0] =	vst.idx.msk $0xffff, v17  }
0x13b: {  	v18 =	vld [tilespmem:s19+$0xFFFFFE50];
	_ =	sdelay $0x4  }
0x13c: {  	v18 =	vadd.s32 v6, v18;
	_ =	sdelay $0x4  }
0x13d: {  	[tilespmem:v18+s10+$0x0] =	vst.idx.msk $0xffff, v17  }
0x13e: {  	v18 =	vld [tilespmem:s19+$0xFFFFFE60];
	_ =	sdelay $0x4  }
0x13f: {  	v18 =	vadd.s32 v7, v18;
	_ =	sdelay $0x4  }
0x140: {  	[tilespmem:v18+s10+$0x0] =	vst.idx.msk $0xffff, v17  }
0x141: {  	v18 =	vld [tilespmem:s19+$0xFFFFFE70];
	_ =	sdelay $0x4  }
0x142: {  	v18 =	vadd.s32 v8, v18;
	_ =	sdelay $0x4  }
0x143: {  	[tilespmem:v18+s10+$0x0] =	vst.idx.msk $0xffff, v17  }
0x144: {  	v18 =	vld [tilespmem:s19+$0xFFFFFE80];
	_ =	sdelay $0x4  }
0x145: {  	v18 =	vadd.s32 v9, v18;
	_ =	sdelay $0x4  }
0x146: {  	[tilespmem:v18+s10+$0x0] =	vst.idx.msk $0xffff, v17  }
0x147: {  	v18 =	vld [tilespmem:s19+$0xFFFFFE90];
	_ =	sdelay $0x4  }
0x148: {  	v18 =	vadd.s32 v10, v18;
	_ =	sdelay $0x4  }
0x149: {  	[tilespmem:v18+s10+$0x0] =	vst.idx.msk $0xffff, v17  }
0x14a: {  	v18 =	vld [tilespmem:s19+$0xFFFFFEA0];
	_ =	sdelay $0x4  }
0x14b: {  	v18 =	vadd.s32 v11, v18;
	_ =	sdelay $0x4  }
0x14c: {  	[tilespmem:v18+s10+$0x0] =	vst.idx.msk $0xffff, v17  }
0x14d: {  	v18 =	vld [tilespmem:s19+$0xFFFFFEB0];
	_ =	sdelay $0x4  }
0x14e: {  	v18 =	vadd.s32 v12, v18;
	_ =	sdelay $0x4  }
0x14f: {  	[tilespmem:v18+s10+$0x0] =	vst.idx.msk $0xffff, v17  }
0x150: {  	v18 =	vld [tilespmem:s19+$0xFFFFFEC0];
	_ =	sdelay $0x4  }
0x151: {  	v18 =	vadd.s32 v13, v18;
	_ =	sdelay $0x4  }
0x152: {  	[tilespmem:v18+s10+$0x0] =	vst.idx.msk $0xffff, v17  }
0x153: {  	v18 =	vld [tilespmem:s19+$0xFFFFFED0];
	_ =	sdelay $0x4  }
0x154: {  	v18 =	vadd.s32 v14, v18;
	_ =	sdelay $0x4  }
0x155: {  	[tilespmem:v18+s10+$0x0] =	vst.idx.msk $0xffff, v17  }
0x156: {  	v18 =	vld [tilespmem:s19+$0xFFFFFEE0];
	_ =	sdelay $0x4  }
0x157: {  	v18 =	vadd.s32 v15, v18;
	_ =	sdelay $0x4  }
0x158: {  	[tilespmem:v18+s10+$0x0] =	vst.idx.msk $0xffff, v17  }
0x159: {  	v18 =	vld [tilespmem:s19+$0xFFFFFEF0];
	_ =	sdelay $0x4  }
0x15a: {  	v18 =	vadd.s32 v16, v18  }
.Ltmp5:
0x15b: {  	_ = 	snop;
	(pc) =	sbr.rel .LBB2_5-.Ltmp5, $2  }
0x15c: {  	_ =	sdelay $0x2  }
0x15d: {  	[tilespmem:v18+s10+$0x0] =	vst.idx.msk $0xffff, v17  }
.LBB2_7:
0x15e: {  	_ =	sfence.sel $0x180000  }
0x15f: {  	[bflag:$0x0] =	sbarrier.arrive $0xFFFF  }
0x160: {  	p0 =	sne.s32 s0, $0x0;
	_ =	strace $0x90000047  }
0x161: {  	s0 =	sadd.s32 @!p0 $0x100000, s1;
	[bflag:$0x2] =	sbarrier.arrive $0xFFFF  }
0x162: {  	[sflag:s0] =	ssyncadd.tile.s32 @!p0 $0x1;
	_ =	shalt  }
.Lfunc_end2:
_tile_overlayer_lowered:
.L_overlay_start_2:
0x163: {  	(tag) =	ssettag $0x2  }
0x164: {  	s0 =	rddreg [dreg:$0x0];
	s2 =	stileid.u32  }
0x165: {  	s1 =	rddreg [dreg:$0x1];
	p0 =	sne.s32 s2, $0x0  }
0x166: {  	s3 =	rddreg [dreg:$0x2];
	[bflag:$0x3] =	sbarrier.arrive $0xFFFF;
	s2 =	simm.s32 @!p0 $0x1C04  }
0x167: {  	[timem:s3], [sflag:s2] =	dma.local @!p0 [hbm:s0], s1  }
0x168: {  	s0 =	simm.s32 @!p0 $0x4  }
0x169: {  	_ =	swait.ge @!p0 [sflag:s0], s1  }
0x16a: {  	s1 =	ssub.s32 @!p0 $0x0, s1;
	[sflag:s0] =	ssyncset.done @!p0 $0x0  }
0x16b: {  	[sflag:s0] =	ssyncadd.s32 @!p0 s1  }
0x16c: {  	[bflag:$0x3] =	sbarrier.arrive $0xFFFF  }
0x16d: {  	_ =	shalt  }

</sc_bundles>
